<compile_context>
chip_gen: v7x
topology: tpu7x:2x2x1
jax: 0.10.2.dev20260603
libtpu: 0.0.44.dev20260713+nightly
codegen_flags: <defaults>
</compile_context>

<pallas_src>
import functools

import jax
import jax.numpy as jnp
from jax import lax
from jax.experimental import pallas as pl
from jax.experimental.pallas import tpu as pltpu
from jax.experimental.pallas import tpu_sc as plsc

NC = 2
NS = 16
L = 16
K = 128


def _sc_aggregate(N, D, E, with_counts):
  NW = NC * NS
  assert E % NW == 0
  e_per_tile = E // NW
  n_full = e_per_tile // K
  rem = e_per_tile - n_full * K
  assert rem % 8 == 0
  rpt0 = (N // NS) // 8 * 8
  rpt_last = N - (NS - 1) * rpt0

  mesh = plsc.VectorSubcoreMesh(core_axis_name="c", subcore_axis_name="s")

  assert n_full >= 4 and n_full % 2 == 0

  out_type = [jax.ShapeDtypeStruct((NC, N, D), jnp.float32)]
  scratch = (
      [pltpu.VMEM((K,), jnp.int32)] * 2 +
      [pltpu.VMEM((K,), jnp.int32)] * 2 +
      [pltpu.VMEM((K, D), jnp.float32)] * 2 +
      [pltpu.VMEM((rem if rem else 8,), jnp.int32)] * 2 +
      [pltpu.VMEM((rem if rem else 8, D), jnp.float32)] +
      [pltpu.VMEM_SHARED((N, D), jnp.float32)] +
      [pltpu.SemaphoreType.DMA] * 2 +
      [pltpu.SemaphoreType.DMA] * 2 +
      [pltpu.SemaphoreType.DMA]
  )
  if with_counts:
    out_type.append(jax.ShapeDtypeStruct((NW * N,), jnp.float32))
    scratch.append(pltpu.VMEM((N,), jnp.float32))

  def body(x_hbm, edges_hbm, zrow_hbm, zcnt_hbm, *rest):
    if with_counts:
      out_p, out_cnt = rest[0], rest[1]
      rest = rest[2:]
    else:
      out_p = rest[0]
      rest = rest[1:]
    srcs, dsts, rows = rest[0:2], rest[2:4], rest[4:6]
    srcv_t, dstv_t, rows_t, accum = rest[6:10]
    semi, semg = rest[10:12], rest[12:14]
    sem_t = rest[14]
    cntv = rest[15] if with_counts else None

    cid = lax.axis_index("c")
    sid = lax.axis_index("s")
    wid = sid * NC + cid

    r0 = sid * rpt0
    is_last = sid == NS - 1

    @pl.when(is_last)
    def _():
      pltpu.sync_copy(zrow_hbm.at[pl.ds(r0, rpt_last)],
                      accum.at[pl.ds(r0, rpt_last)])

    @pl.when(jnp.logical_not(is_last))
    def _():
      pltpu.sync_copy(zrow_hbm.at[pl.ds(r0, rpt0)],
                      accum.at[pl.ds(r0, rpt0)])

    if with_counts:
      pltpu.sync_copy(zcnt_hbm, cntv)
    plsc.subcore_barrier()

    base = wid * e_per_tile
    ones = jnp.ones((L,), jnp.float32)

    def issue_idx(c, p):
      off = base + c * K
      pltpu.async_copy(edges_hbm.at[pl.ds(off, K)], srcs[p], semi[p])
      pltpu.async_copy(edges_hbm.at[pl.ds(E + off, K)], dsts[p], semi[p])

    def wait_idx(p):
      pltpu.make_async_copy(edges_hbm.at[pl.ds(0, K)], srcs[p], semi[p]).wait()
      pltpu.make_async_copy(edges_hbm.at[pl.ds(0, K)], dsts[p], semi[p]).wait()

    def issue_gather(p):
      h = K // 2
      pltpu.async_copy(x_hbm.at[srcs[p].at[pl.ds(0, h)]],
                       rows[p].at[pl.ds(0, h)], semg[p])
      pltpu.async_copy(x_hbm.at[srcs[p].at[pl.ds(h, h)]],
                       rows[p].at[pl.ds(h, h)], semg[p])

    def wait_gather(p):
      pltpu.make_async_copy(x_hbm.at[srcs[p]], rows[p], semg[p]).wait()

    def do_counts(dref, n):
      if with_counts:
        for t in range(n // L):
          d16 = dref[pl.ds(t * L, L)]
          plsc.addupdate_scatter(cntv, [d16], ones)

    def scatter(p):
      pltpu.sync_copy(rows[p], accum.at[dsts[p]], add=True)

    issue_idx(0, 0)
    issue_idx(1, 1)
    wait_idx(0)
    issue_gather(0)

    def pair(j, _):
      for b in range(2):
        c = 2 * j + b
        p, q = b, 1 - b
        wait_idx(q)
        issue_gather(q)
        do_counts(dsts[p], K)
        wait_gather(p)
        scatter(p)
        issue_idx(c + 2, p)
      return 0

    lax.fori_loop(0, (n_full - 2) // 2, pair, 0)

    wait_idx(1)
    issue_gather(1)
    do_counts(dsts[0], K)
    wait_gather(0)
    scatter(0)
    do_counts(dsts[1], K)
    wait_gather(1)
    scatter(1)

    if rem:
      off = base + n_full * K
      pltpu.sync_copy(edges_hbm.at[pl.ds(off, rem)], srcv_t)
      pltpu.sync_copy(edges_hbm.at[pl.ds(E + off, rem)], dstv_t)
      pltpu.async_copy(x_hbm.at[srcv_t], rows_t, sem_t).wait()
      pltpu.sync_copy(rows_t, accum.at[dstv_t], add=True)
      do_counts(dstv_t, rem)

    plsc.subcore_barrier()

    @pl.when(is_last)
    def _():
      pltpu.sync_copy(accum.at[pl.ds(r0, rpt_last)],
                      out_p.at[cid, pl.ds(r0, rpt_last)])

    @pl.when(jnp.logical_not(is_last))
    def _():
      pltpu.sync_copy(accum.at[pl.ds(r0, rpt0)],
                      out_p.at[cid, pl.ds(r0, rpt0)])

    if with_counts:
      pltpu.sync_copy(cntv, out_cnt.at[pl.ds(wid * N, N)])

  return pl.kernel(
      body, out_type=out_type, mesh=mesh, scratch_types=scratch,
      compiler_params=pltpu.CompilerParams(needs_layout_passes=False))


def _mm_bias_kernel(x_ref, wt_ref, b_ref, o_ref):
  o_ref[...] = (jax.lax.dot(x_ref[...], wt_ref[...],
                            preferred_element_type=jnp.float32) + b_ref[...])


def _mm_bias(x, wt, b2d):
  N, D = x.shape
  BN = 1000
  return pl.pallas_call(
      _mm_bias_kernel,
      grid=(N // BN,),
      in_specs=[
          pl.BlockSpec((BN, D), lambda i: (i, 0)),
          pl.BlockSpec((D, D), lambda i: (0, 0)),
          pl.BlockSpec((1, D), lambda i: (0, 0)),
      ],
      out_specs=pl.BlockSpec((BN, D), lambda i: (i, 0)),
      out_shape=jax.ShapeDtypeStruct((N, D), jnp.float32),
  )(x, wt, b2d)


def _tc_layer_kernel(p_ref, cnt_ref, xr_ref, wlt_ref, o_ref, *, relu):
  s = p_ref[0] + p_ref[1]
  cnt = jnp.sum(cnt_ref[...], axis=1, keepdims=True)
  mean = s / jnp.maximum(cnt, 1.0)
  out = (jax.lax.dot(mean, wlt_ref[...], preferred_element_type=jnp.float32)
         + xr_ref[...])
  nrm = jnp.sqrt(jnp.sum(out * out, axis=-1, keepdims=True))
  out = out / jnp.maximum(nrm, 1e-12)
  if relu:
    out = jnp.maximum(out, 0.0)
  o_ref[...] = out


def _tc_layer(p, counts, xr, wlt, relu):
  N, D = xr.shape
  NW = counts.shape[1]
  BN = 1000
  assert N % BN == 0
  return pl.pallas_call(
      functools.partial(_tc_layer_kernel, relu=relu),
      grid=(N // BN,),
      in_specs=[
          pl.BlockSpec((NC, BN, D), lambda i: (0, i, 0)),
          pl.BlockSpec((BN, NW), lambda i: (i, 0)),
          pl.BlockSpec((BN, D), lambda i: (i, 0)),
          pl.BlockSpec((D, D), lambda i: (0, 0)),
      ],
      out_specs=pl.BlockSpec((BN, D), lambda i: (i, 0)),
      out_shape=jax.ShapeDtypeStruct((N, D), jnp.float32),
  )(p, counts, xr, wlt)


@jax.jit
def kernel(x, edge_index, Wl1, bl1, Wr1, Wl2, bl2, Wr2):
  N, D = x.shape
  E = edge_index.shape[1]
  edges = edge_index.reshape(2 * E)
  zrow = jnp.zeros((N, D), jnp.float32)
  zcnt = jnp.zeros((N,), jnp.float32)

  xr1 = _mm_bias(x, Wr1.T, bl1.reshape(1, D))
  agg1 = _sc_aggregate(N, D, E, with_counts=True)
  p1, counts = agg1(x, edges, zrow, zcnt)
  counts_t = counts.reshape(NC * NS, N).T
  h = _tc_layer(p1, counts_t, xr1, Wl1.T, relu=True)

  hr2 = _mm_bias(h, Wr2.T, bl2.reshape(1, D))
  agg2 = _sc_aggregate(N, D, E, with_counts=False)
  (p2,) = agg2(h, edges, zrow, zcnt)
  return _tc_layer(p2, counts_t, hr2, Wl2.T, relu=False)

# --- scband reference (transcript-rebuilt; emitter-appended) ---
"""Pipeline reference for scband-graph-sage-30262339568403 (READ-ONLY COPY).

The authoritative reference and input builder live on the scoring server;
editing this copy changes nothing except your own understanding.
"""

import jax, jax.numpy as jnp
import numpy as np

N = 10000
E = 320000
D = 128


def setup_inputs(seed: int = 0) -> dict:
    key = jax.random.key(seed)
    ks = jax.random.split(key, 9)
    x = jax.random.normal(ks[0], (N, D), dtype=jnp.float32)
    edge_index = jax.random.randint(ks[1], (2, E), 0, N, dtype=jnp.int32)
    s = 1.0 / np.sqrt(D)
    Wl1 = jax.random.uniform(ks[2], (D, D), jnp.float32, -s, s)
    bl1 = jax.random.uniform(ks[3], (D,), jnp.float32, -s, s)
    Wr1 = jax.random.uniform(ks[4], (D, D), jnp.float32, -s, s)
    Wl2 = jax.random.uniform(ks[5], (D, D), jnp.float32, -s, s)
    bl2 = jax.random.uniform(ks[6], (D,), jnp.float32, -s, s)
    Wr2 = jax.random.uniform(ks[7], (D, D), jnp.float32, -s, s)
    return {"x": x, "edge_index": edge_index, "Wl1": Wl1, "bl1": bl1, "Wr1": Wr1,
            "Wl2": Wl2, "bl2": bl2, "Wr2": Wr2}


def _sage_conv(x, src, dst, Wl, bl, Wr):
    # PyG SAGEConv (aggr='mean', normalize=True):
    #   out = lin_l(mean_{j in N(i)} x_j) + lin_r(x_i); out = F.normalize(out, p=2, dim=-1)
    msg = jnp.take(x, src, axis=0)                      # gather (SparseCore)
    aggr = jax.ops.segment_sum(msg, dst, num_segments=N)  # scatter-add
    cnt = jax.ops.segment_sum(jnp.ones((msg.shape[0],), x.dtype), dst, num_segments=N)
    mean = aggr / jnp.clip(cnt, 1.0)[:, None]
    out = mean @ Wl.T + bl + x @ Wr.T
    nrm = jnp.linalg.norm(out, axis=-1, keepdims=True)
    return out / jnp.maximum(nrm, 1e-12)


def reference(x, edge_index, Wl1, bl1, Wr1, Wl2, bl2, Wr2):
    src, dst = edge_index[0], edge_index[1]
    h = _sage_conv(x, src, dst, Wl1, bl1, Wr1)
    h = jax.nn.relu(h)
    # dropout(p=0.5) is identity in eval mode
    h = _sage_conv(h, src, dst, Wl2, bl2, Wr2)
    return h

if __name__ == "__main__":
    import jax
    _d = setup_inputs()
    print(jax.jit(kernel)(*tuple(_d.values())))

</pallas_src>

<mosaic_0001>
#map = affine_map<(d0, d1) -> (0, 0)>
#map1 = affine_map<(d0, d1) -> (0)>
#map2 = affine_map<(d0, d1) -> (0, 0, 0)>
module attributes {stable_mosaic.version = 14 : i64} {
  func.func @body(%arg0: i32, %arg1: i32, %arg2: memref<10000x128xf32, #tpu.memory_space<hbm>>, %arg3: memref<640000xi32, #tpu.memory_space<hbm>>, %arg4: memref<10000x128xf32, #tpu.memory_space<hbm>>, %arg5: memref<10000xf32, #tpu.memory_space<hbm>>, %arg6: memref<2x10000x128xf32, #tpu.memory_space<hbm>>, %arg7: memref<320000xf32, #tpu.memory_space<hbm>>, %arg8: memref<128xi32, #tpu.memory_space<vmem>>, %arg9: memref<128xi32, #tpu.memory_space<vmem>>, %arg10: memref<128xi32, #tpu.memory_space<vmem>>, %arg11: memref<128xi32, #tpu.memory_space<vmem>>, %arg12: memref<128x128xf32, #tpu.memory_space<vmem>>, %arg13: memref<128x128xf32, #tpu.memory_space<vmem>>, %arg14: memref<16xi32, #tpu.memory_space<vmem>>, %arg15: memref<16xi32, #tpu.memory_space<vmem>>, %arg16: memref<16x128xf32, #tpu.memory_space<vmem>>, %arg17: memref<10000x128xf32, #tpu.memory_space<vmem_shared>>, %arg18: memref<!tpu.dma_semaphore, #tpu.memory_space<semaphore_mem>>, %arg19: memref<!tpu.dma_semaphore, #tpu.memory_space<semaphore_mem>>, %arg20: memref<!tpu.dma_semaphore, #tpu.memory_space<semaphore_mem>>, %arg21: memref<!tpu.dma_semaphore, #tpu.memory_space<semaphore_mem>>, %arg22: memref<!tpu.dma_semaphore, #tpu.memory_space<semaphore_mem>>, %arg23: memref<10000xf32, #tpu.memory_space<vmem>>) attributes {dimension_semantics = [#tpu.dimension_semantics<core_parallel>, #tpu.dimension_semantics<subcore_parallel>], iteration_bounds = array<i64: 2, 16>, scalar_prefetch = 0 : i64, scratch_operands = 16 : i64, tpu.core_type = #tpu.core_type<sc_vector_subcore>, window_params = [{transform_indices = #map}, {transform_indices = #map1}, {transform_indices = #map}, {transform_indices = #map1}, {transform_indices = #map2}, {transform_indices = #map1}]} {
    %mul3A = arith.constant 2 : i32
    %mul3A_0 = arith.muli %arg1, %mul3A : i32
    %add3A = arith.addi %mul3A_0, %arg0 : i32
    %mul3A_1 = arith.constant 624 : i32
    %mul3A_2 = arith.muli %arg1, %mul3A_1 : i32
    %eq3A = arith.constant 15 : i32
    %eq3A_3 = arith.cmpi eq, %arg1, %eq3A : i32
    %convert_element_type3A = arith.extui %eq3A_3 : i1 to i32
    %cond3A = arith.constant 0 : i32
    %cond3A_4 = arith.cmpi ne, %convert_element_type3A, %cond3A : i32
    scf.if %cond3A_4 {
      "tpu.region"() ({
        %run_scoped3A = tpu.sem_alloc : memref<!tpu.dma_semaphore, #tpu.memory_space<semaphore_mem>>
        %dma_start3A_140 = arith.constant 0 : i32
        %dma_start3A_141 = tpu.memref_slice %arg17[%mul3A_2, %dma_start3A_140] : memref<10000x128xf32, #tpu.memory_space<vmem_shared>> -> memref<640x128xf32, #tpu.memory_space<vmem_shared>>
        %dma_start3A_142 = arith.constant 0 : i32
        %dma_start3A_143 = tpu.memref_slice %arg4[%mul3A_2, %dma_start3A_142] : memref<10000x128xf32, #tpu.memory_space<hbm>> -> memref<640x128xf32, #tpu.memory_space<hbm>>
        tpu.enqueue_dma source(%dma_start3A_143 : memref<640x128xf32, #tpu.memory_space<hbm>>) target(%dma_start3A_141 : memref<640x128xf32, #tpu.memory_space<vmem_shared>>) target_semaphore(%run_scoped3A : memref<!tpu.dma_semaphore, #tpu.memory_space<semaphore_mem>>)
        %dma_wait3A_144 = arith.constant 0 : i32
        %dma_wait3A_145 = tpu.memref_slice %arg17[%mul3A_2, %dma_wait3A_144] : memref<10000x128xf32, #tpu.memory_space<vmem_shared>> -> memref<640x128xf32, #tpu.memory_space<vmem_shared>>
        %dma_wait3A_146 = arith.constant 0 : i32
        %dma_wait3A_147 = tpu.memref_slice %arg4[%mul3A_2, %dma_wait3A_146] : memref<10000x128xf32, #tpu.memory_space<hbm>> -> memref<640x128xf32, #tpu.memory_space<hbm>>
        tpu.wait_dma2 semaphore(%run_scoped3A : memref<!tpu.dma_semaphore, #tpu.memory_space<semaphore_mem>>) src(%dma_wait3A_147 : memref<640x128xf32, #tpu.memory_space<hbm>>) dst(%dma_wait3A_145 : memref<640x128xf32, #tpu.memory_space<vmem_shared>>)
        tpu.yield
      }) : () -> ()
    } else {
    }
    %not3A = arith.constant true
    %not3A_5 = arith.xori %eq3A_3, %not3A : i1
    %convert_element_type3A_6 = arith.extui %not3A_5 : i1 to i32
    %cond3A_7 = arith.constant 0 : i32
    %cond3A_8 = arith.cmpi ne, %convert_element_type3A_6, %cond3A_7 : i32
    scf.if %cond3A_8 {
      "tpu.region"() ({
        %run_scoped3A = tpu.sem_alloc : memref<!tpu.dma_semaphore, #tpu.memory_space<semaphore_mem>>
        %dma_start3A_140 = arith.constant 0 : i32
        %dma_start3A_141 = tpu.memref_slice %arg17[%mul3A_2, %dma_start3A_140] : memref<10000x128xf32, #tpu.memory_space<vmem_shared>> -> memref<624x128xf32, #tpu.memory_space<vmem_shared>>
        %dma_start3A_142 = arith.constant 0 : i32
        %dma_start3A_143 = tpu.memref_slice %arg4[%mul3A_2, %dma_start3A_142] : memref<10000x128xf32, #tpu.memory_space<hbm>> -> memref<624x128xf32, #tpu.memory_space<hbm>>
        tpu.enqueue_dma source(%dma_start3A_143 : memref<624x128xf32, #tpu.memory_space<hbm>>) target(%dma_start3A_141 : memref<624x128xf32, #tpu.memory_space<vmem_shared>>) target_semaphore(%run_scoped3A : memref<!tpu.dma_semaphore, #tpu.memory_space<semaphore_mem>>)
        %dma_wait3A_144 = arith.constant 0 : i32
        %dma_wait3A_145 = tpu.memref_slice %arg17[%mul3A_2, %dma_wait3A_144] : memref<10000x128xf32, #tpu.memory_space<vmem_shared>> -> memref<624x128xf32, #tpu.memory_space<vmem_shared>>
        %dma_wait3A_146 = arith.constant 0 : i32
        %dma_wait3A_147 = tpu.memref_slice %arg4[%mul3A_2, %dma_wait3A_146] : memref<10000x128xf32, #tpu.memory_space<hbm>> -> memref<624x128xf32, #tpu.memory_space<hbm>>
        tpu.wait_dma2 semaphore(%run_scoped3A : memref<!tpu.dma_semaphore, #tpu.memory_space<semaphore_mem>>) src(%dma_wait3A_147 : memref<624x128xf32, #tpu.memory_space<hbm>>) dst(%dma_wait3A_145 : memref<624x128xf32, #tpu.memory_space<vmem_shared>>)
        tpu.yield
      }) : () -> ()
    } else {
    }
    "tpu.region"() ({
      %run_scoped3A = tpu.sem_alloc : memref<!tpu.dma_semaphore, #tpu.memory_space<semaphore_mem>>
      tpu.enqueue_dma source(%arg5 : memref<10000xf32, #tpu.memory_space<hbm>>) target(%arg23 : memref<10000xf32, #tpu.memory_space<vmem>>) target_semaphore(%run_scoped3A : memref<!tpu.dma_semaphore, #tpu.memory_space<semaphore_mem>>)
      tpu.wait_dma2 semaphore(%run_scoped3A : memref<!tpu.dma_semaphore, #tpu.memory_space<semaphore_mem>>) src(%arg5 : memref<10000xf32, #tpu.memory_space<hbm>>) dst(%arg23 : memref<10000xf32, #tpu.memory_space<vmem>>)
      tpu.yield
    }) : () -> ()
    %barrier3A = arith.constant 0 : index
    tpu.barrier barrier_id(%barrier3A)
    %mul3A_9 = arith.constant 10000 : i32
    %mul3A_10 = arith.muli %add3A, %mul3A_9 : i32
    %broadcast_in_dim3A = arith.constant 1.000000e+00 : f32
    %broadcast_in_dim3A_11 = vector.broadcast %broadcast_in_dim3A : f32 to vector<16xf32>
    %add3A_12 = arith.constant 0 : i32
    %add3A_13 = arith.addi %mul3A_10, %add3A_12 : i32
    %dma_start3A = tpu.memref_slice %arg3[%add3A_13] : memref<640000xi32, #tpu.memory_space<hbm>> -> memref<128xi32, #tpu.memory_space<hbm>>
    %dma_start3A_14 = tpu.memref_slice %arg3[%add3A_13] : memref<640000xi32, #tpu.memory_space<hbm>> -> memref<128xi32, #tpu.memory_space<hbm>>
    tpu.enqueue_dma source(%dma_start3A_14 : memref<128xi32, #tpu.memory_space<hbm>>) target(%arg8 : memref<128xi32, #tpu.memory_space<vmem>>) target_semaphore(%arg18 : memref<!tpu.dma_semaphore, #tpu.memory_space<semaphore_mem>>)
    %add3A_15 = arith.constant 320000 : i32
    %add3A_16 = arith.addi %add3A_15, %add3A_13 : i32
    %dma_start3A_17 = tpu.memref_slice %arg3[%add3A_16] : memref<640000xi32, #tpu.memory_space<hbm>> -> memref<128xi32, #tpu.memory_space<hbm>>
    %dma_start3A_18 = tpu.memref_slice %arg3[%add3A_16] : memref<640000xi32, #tpu.memory_space<hbm>> -> memref<128xi32, #tpu.memory_space<hbm>>
    tpu.enqueue_dma source(%dma_start3A_18 : memref<128xi32, #tpu.memory_space<hbm>>) target(%arg10 : memref<128xi32, #tpu.memory_space<vmem>>) target_semaphore(%arg18 : memref<!tpu.dma_semaphore, #tpu.memory_space<semaphore_mem>>)
    %add3A_19 = arith.constant 128 : i32
    %add3A_20 = arith.addi %mul3A_10, %add3A_19 : i32
    %dma_start3A_21 = tpu.memref_slice %arg3[%add3A_20] : memref<640000xi32, #tpu.memory_space<hbm>> -> memref<128xi32, #tpu.memory_space<hbm>>
    %dma_start3A_22 = tpu.memref_slice %arg3[%add3A_20] : memref<640000xi32, #tpu.memory_space<hbm>> -> memref<128xi32, #tpu.memory_space<hbm>>
    tpu.enqueue_dma source(%dma_start3A_22 : memref<128xi32, #tpu.memory_space<hbm>>) target(%arg9 : memref<128xi32, #tpu.memory_space<vmem>>) target_semaphore(%arg19 : memref<!tpu.dma_semaphore, #tpu.memory_space<semaphore_mem>>)
    %add3A_23 = arith.constant 320000 : i32
    %add3A_24 = arith.addi %add3A_23, %add3A_20 : i32
    %dma_start3A_25 = tpu.memref_slice %arg3[%add3A_24] : memref<640000xi32, #tpu.memory_space<hbm>> -> memref<128xi32, #tpu.memory_space<hbm>>
    %dma_start3A_26 = tpu.memref_slice %arg3[%add3A_24] : memref<640000xi32, #tpu.memory_space<hbm>> -> memref<128xi32, #tpu.memory_space<hbm>>
    tpu.enqueue_dma source(%dma_start3A_26 : memref<128xi32, #tpu.memory_space<hbm>>) target(%arg11 : memref<128xi32, #tpu.memory_space<vmem>>) target_semaphore(%arg19 : memref<!tpu.dma_semaphore, #tpu.memory_space<semaphore_mem>>)
    %dma_wait3A = arith.constant 0 : i32
    %dma_wait3A_27 = tpu.memref_slice %arg3[%dma_wait3A] : memref<640000xi32, #tpu.memory_space<hbm>> -> memref<128xi32, #tpu.memory_space<hbm>>
    %dma_wait3A_28 = arith.constant 0 : i32
    %dma_wait3A_29 = tpu.memref_slice %arg3[%dma_wait3A_28] : memref<640000xi32, #tpu.memory_space<hbm>> -> memref<128xi32, #tpu.memory_space<hbm>>
    tpu.wait_dma2 semaphore(%arg18 : memref<!tpu.dma_semaphore, #tpu.memory_space<semaphore_mem>>) src(%dma_wait3A_29 : memref<128xi32, #tpu.memory_space<hbm>>) dst(%arg8 : memref<128xi32, #tpu.memory_space<vmem>>)
    %dma_wait3A_30 = arith.constant 0 : i32
    %dma_wait3A_31 = tpu.memref_slice %arg3[%dma_wait3A_30] : memref<640000xi32, #tpu.memory_space<hbm>> -> memref<128xi32, #tpu.memory_space<hbm>>
    %dma_wait3A_32 = arith.constant 0 : i32
    %dma_wait3A_33 = tpu.memref_slice %arg3[%dma_wait3A_32] : memref<640000xi32, #tpu.memory_space<hbm>> -> memref<128xi32, #tpu.memory_space<hbm>>
    tpu.wait_dma2 semaphore(%arg18 : memref<!tpu.dma_semaphore, #tpu.memory_space<semaphore_mem>>) src(%dma_wait3A_33 : memref<128xi32, #tpu.memory_space<hbm>>) dst(%arg10 : memref<128xi32, #tpu.memory_space<vmem>>)
    %dma_start3A_34 = arith.constant 0 : i32
    %dma_start3A_35 = arith.constant 0 : i32
    %dma_start3A_36 = tpu.memref_slice %arg12[%dma_start3A_34, %dma_start3A_35] : memref<128x128xf32, #tpu.memory_space<vmem>> -> memref<64x128xf32, #tpu.memory_space<vmem>>
    %dma_start3A_37 = arith.constant 0 : i32
    %dma_start3A_38 = tpu.memref_slice %arg8[%dma_start3A_37] : memref<128xi32, #tpu.memory_space<vmem>> -> memref<64xi32, #tpu.memory_space<vmem>>
    %dma_start3A_39 = arith.constant 0 : i32
    %dma_start3A_40 = arith.constant 0 : i32
    %dma_start3A_41 = tpu.memref_slice %arg2[%dma_start3A_39, %dma_start3A_40] : memref<10000x128xf32, #tpu.memory_space<hbm>> -> memref<10000x128xf32, #tpu.memory_space<hbm>>
    tpu.enqueue_indirect_dma source(%dma_start3A_41 : memref<10000x128xf32, #tpu.memory_space<hbm>>) target(%dma_start3A_36 : memref<64x128xf32, #tpu.memory_space<vmem>>) offsets(%dma_start3A_38 : memref<64xi32, #tpu.memory_space<vmem>>) semaphore(%arg20 : memref<!tpu.dma_semaphore, #tpu.memory_space<semaphore_mem>>)
    %dma_start3A_42 = arith.constant 64 : i32
    %dma_start3A_43 = arith.constant 0 : i32
    %dma_start3A_44 = tpu.memref_slice %arg12[%dma_start3A_42, %dma_start3A_43] : memref<128x128xf32, #tpu.memory_space<vmem>> -> memref<64x128xf32, #tpu.memory_space<vmem>>
    %dma_start3A_45 = arith.constant 64 : i32
    %dma_start3A_46 = tpu.memref_slice %arg8[%dma_start3A_45] : memref<128xi32, #tpu.memory_space<vmem>> -> memref<64xi32, #tpu.memory_space<vmem>>
    %dma_start3A_47 = arith.constant 0 : i32
    %dma_start3A_48 = arith.constant 0 : i32
    %dma_start3A_49 = tpu.memref_slice %arg2[%dma_start3A_47, %dma_start3A_48] : memref<10000x128xf32, #tpu.memory_space<hbm>> -> memref<10000x128xf32, #tpu.memory_space<hbm>>
    tpu.enqueue_indirect_dma source(%dma_start3A_49 : memref<10000x128xf32, #tpu.memory_space<hbm>>) target(%dma_start3A_44 : memref<64x128xf32, #tpu.memory_space<vmem>>) offsets(%dma_start3A_46 : memref<64xi32, #tpu.memory_space<vmem>>) semaphore(%arg20 : memref<!tpu.dma_semaphore, #tpu.memory_space<semaphore_mem>>)
    %scan3A = arith.constant 0 : i32
    %scan3A_50 = arith.constant 0 : i32
    %scan3A_51 = arith.constant 38 : i32
    %scan3A_52 = arith.addi %scan3A_50, %scan3A_51 : i32
    %scan3A_53 = arith.constant 1 : i32
    %scan3A_54 = scf.for %scan3A_140 = %scan3A_50 to %scan3A_52 step %scan3A_53 iter_args(%scan3A_141 = %scan3A) -> (i32)  : i32 {
      %mul3A_142 = arith.constant 2 : i32
      %mul3A_143 = arith.muli %mul3A_142, %scan3A_140 : i32
      %add3A_144 = arith.constant 0 : i32
      %add3A_145 = arith.addi %mul3A_143, %add3A_144 : i32
      %dma_wait3A_146 = arith.constant 0 : i32
      %dma_wait3A_147 = tpu.memref_slice %arg3[%dma_wait3A_146] : memref<640000xi32, #tpu.memory_space<hbm>> -> memref<128xi32, #tpu.memory_space<hbm>>
      %dma_wait3A_148 = arith.constant 0 : i32
      %dma_wait3A_149 = tpu.memref_slice %arg3[%dma_wait3A_148] : memref<640000xi32, #tpu.memory_space<hbm>> -> memref<128xi32, #tpu.memory_space<hbm>>
      tpu.wait_dma2 semaphore(%arg19 : memref<!tpu.dma_semaphore, #tpu.memory_space<semaphore_mem>>) src(%dma_wait3A_149 : memref<128xi32, #tpu.memory_space<hbm>>) dst(%arg9 : memref<128xi32, #tpu.memory_space<vmem>>)
      %dma_wait3A_150 = arith.constant 0 : i32
      %dma_wait3A_151 = tpu.memref_slice %arg3[%dma_wait3A_150] : memref<640000xi32, #tpu.memory_space<hbm>> -> memref<128xi32, #tpu.memory_space<hbm>>
      %dma_wait3A_152 = arith.constant 0 : i32
      %dma_wait3A_153 = tpu.memref_slice %arg3[%dma_wait3A_152] : memref<640000xi32, #tpu.memory_space<hbm>> -> memref<128xi32, #tpu.memory_space<hbm>>
      tpu.wait_dma2 semaphore(%arg19 : memref<!tpu.dma_semaphore, #tpu.memory_space<semaphore_mem>>) src(%dma_wait3A_153 : memref<128xi32, #tpu.memory_space<hbm>>) dst(%arg11 : memref<128xi32, #tpu.memory_space<vmem>>)
      %dma_start3A_154 = arith.constant 0 : i32
      %dma_start3A_155 = arith.constant 0 : i32
      %dma_start3A_156 = tpu.memref_slice %arg13[%dma_start3A_154, %dma_start3A_155] : memref<128x128xf32, #tpu.memory_space<vmem>> -> memref<64x128xf32, #tpu.memory_space<vmem>>
      %dma_start3A_157 = arith.constant 0 : i32
      %dma_start3A_158 = tpu.memref_slice %arg9[%dma_start3A_157] : memref<128xi32, #tpu.memory_space<vmem>> -> memref<64xi32, #tpu.memory_space<vmem>>
      %dma_start3A_159 = arith.constant 0 : i32
      %dma_start3A_160 = arith.constant 0 : i32
      %dma_start3A_161 = tpu.memref_slice %arg2[%dma_start3A_159, %dma_start3A_160] : memref<10000x128xf32, #tpu.memory_space<hbm>> -> memref<10000x128xf32, #tpu.memory_space<hbm>>
      tpu.enqueue_indirect_dma source(%dma_start3A_161 : memref<10000x128xf32, #tpu.memory_space<hbm>>) target(%dma_start3A_156 : memref<64x128xf32, #tpu.memory_space<vmem>>) offsets(%dma_start3A_158 : memref<64xi32, #tpu.memory_space<vmem>>) semaphore(%arg21 : memref<!tpu.dma_semaphore, #tpu.memory_space<semaphore_mem>>)
      %dma_start3A_162 = arith.constant 64 : i32
      %dma_start3A_163 = arith.constant 0 : i32
      %dma_start3A_164 = tpu.memref_slice %arg13[%dma_start3A_162, %dma_start3A_163] : memref<128x128xf32, #tpu.memory_space<vmem>> -> memref<64x128xf32, #tpu.memory_space<vmem>>
      %dma_start3A_165 = arith.constant 64 : i32
      %dma_start3A_166 = tpu.memref_slice %arg9[%dma_start3A_165] : memref<128xi32, #tpu.memory_space<vmem>> -> memref<64xi32, #tpu.memory_space<vmem>>
      %dma_start3A_167 = arith.constant 0 : i32
      %dma_start3A_168 = arith.constant 0 : i32
      %dma_start3A_169 = tpu.memref_slice %arg2[%dma_start3A_167, %dma_start3A_168] : memref<10000x128xf32, #tpu.memory_space<hbm>> -> memref<10000x128xf32, #tpu.memory_space<hbm>>
      tpu.enqueue_indirect_dma source(%dma_start3A_169 : memref<10000x128xf32, #tpu.memory_space<hbm>>) target(%dma_start3A_164 : memref<64x128xf32, #tpu.memory_space<vmem>>) offsets(%dma_start3A_166 : memref<64xi32, #tpu.memory_space<vmem>>) semaphore(%arg21 : memref<!tpu.dma_semaphore, #tpu.memory_space<semaphore_mem>>)
      %get3A_170 = arith.constant 0 : index
      %get3A_171 = tpu.vector_load %arg10[%get3A_170] {strides = array<i32>} : memref<128xi32, #tpu.memory_space<vmem>>, vector<16xi32>,
      tpu.vector_store_idx %arg23[%get3A_171], %broadcast_in_dim3A_11 {add = true} : memref<10000xf32, #tpu.memory_space<vmem>>[vector<16xi32>], vector<16xf32>,
      %get3A_172 = arith.constant 16 : index
      %get3A_173 = tpu.vector_load %arg10[%get3A_172] {strides = array<i32>} : memref<128xi32, #tpu.memory_space<vmem>>, vector<16xi32>,
      tpu.vector_store_idx %arg23[%get3A_173], %broadcast_in_dim3A_11 {add = true} : memref<10000xf32, #tpu.memory_space<vmem>>[vector<16xi32>], vector<16xf32>,
      %get3A_174 = arith.constant 32 : index
      %get3A_175 = tpu.vector_load %arg10[%get3A_174] {strides = array<i32>} : memref<128xi32, #tpu.memory_space<vmem>>, vector<16xi32>,
      tpu.vector_store_idx %arg23[%get3A_175], %broadcast_in_dim3A_11 {add = true} : memref<10000xf32, #tpu.memory_space<vmem>>[vector<16xi32>], vector<16xf32>,
      %get3A_176 = arith.constant 48 : index
      %get3A_177 = tpu.vector_load %arg10[%get3A_176] {strides = array<i32>} : memref<128xi32, #tpu.memory_space<vmem>>, vector<16xi32>,
      tpu.vector_store_idx %arg23[%get3A_177], %broadcast_in_dim3A_11 {add = true} : memref<10000xf32, #tpu.memory_space<vmem>>[vector<16xi32>], vector<16xf32>,
      %get3A_178 = arith.constant 64 : index
      %get3A_179 = tpu.vector_load %arg10[%get3A_178] {strides = array<i32>} : memref<128xi32, #tpu.memory_space<vmem>>, vector<16xi32>,
      tpu.vector_store_idx %arg23[%get3A_179], %broadcast_in_dim3A_11 {add = true} : memref<10000xf32, #tpu.memory_space<vmem>>[vector<16xi32>], vector<16xf32>,
      %get3A_180 = arith.constant 80 : index
      %get3A_181 = tpu.vector_load %arg10[%get3A_180] {strides = array<i32>} : memref<128xi32, #tpu.memory_space<vmem>>, vector<16xi32>,
      tpu.vector_store_idx %arg23[%get3A_181], %broadcast_in_dim3A_11 {add = true} : memref<10000xf32, #tpu.memory_space<vmem>>[vector<16xi32>], vector<16xf32>,
      %get3A_182 = arith.constant 96 : index
      %get3A_183 = tpu.vector_load %arg10[%get3A_182] {strides = array<i32>} : memref<128xi32, #tpu.memory_space<vmem>>, vector<16xi32>,
      tpu.vector_store_idx %arg23[%get3A_183], %broadcast_in_dim3A_11 {add = true} : memref<10000xf32, #tpu.memory_space<vmem>>[vector<16xi32>], vector<16xf32>,
      %get3A_184 = arith.constant 112 : index
      %get3A_185 = tpu.vector_load %arg10[%get3A_184] {strides = array<i32>} : memref<128xi32, #tpu.memory_space<vmem>>, vector<16xi32>,
      tpu.vector_store_idx %arg23[%get3A_185], %broadcast_in_dim3A_11 {add = true} : memref<10000xf32, #tpu.memory_space<vmem>>[vector<16xi32>], vector<16xf32>,
      %dma_wait3A_186 = arith.constant 0 : i32
      %dma_wait3A_187 = arith.constant 0 : i32
      %dma_wait3A_188 = tpu.memref_slice %arg2[%dma_wait3A_186, %dma_wait3A_187] : memref<10000x128xf32, #tpu.memory_space<hbm>> -> memref<10000x128xf32, #tpu.memory_space<hbm>>
      tpu.wait_indirect_dma semaphore(%arg20 : memref<!tpu.dma_semaphore, #tpu.memory_space<semaphore_mem>>) src(%dma_wait3A_188 : memref<10000x128xf32, #tpu.memory_space<hbm>>) dst(%arg12 : memref<128x128xf32, #tpu.memory_space<vmem>>)
      "tpu.region"() ({
        %run_scoped3A = tpu.sem_alloc : memref<!tpu.dma_semaphore, #tpu.memory_space<semaphore_mem>>
        %dma_start3A_259 = arith.constant 0 : i32
        %dma_start3A_260 = arith.constant 0 : i32
        %dma_start3A_261 = tpu.memref_slice %arg17[%dma_start3A_259, %dma_start3A_260] : memref<10000x128xf32, #tpu.memory_space<vmem_shared>> -> memref<10000x128xf32, #tpu.memory_space<vmem_shared>>
        tpu.enqueue_indirect_dma source(%arg12 : memref<128x128xf32, #tpu.memory_space<vmem>>) target(%dma_start3A_261 : memref<10000x128xf32, #tpu.memory_space<vmem_shared>>) offsets(%arg10 : memref<128xi32, #tpu.memory_space<vmem>>) semaphore(%run_scoped3A : memref<!tpu.dma_semaphore, #tpu.memory_space<semaphore_mem>>) {add = true}
        %dma_wait3A_262 = arith.constant 0 : i32
        %dma_wait3A_263 = arith.constant 0 : i32
        %dma_wait3A_264 = tpu.memref_slice %arg17[%dma_wait3A_262, %dma_wait3A_263] : memref<10000x128xf32, #tpu.memory_space<vmem_shared>> -> memref<10000x128xf32, #tpu.memory_space<vmem_shared>>
        tpu.wait_indirect_dma semaphore(%run_scoped3A : memref<!tpu.dma_semaphore, #tpu.memory_space<semaphore_mem>>) src(%arg12 : memref<128x128xf32, #tpu.memory_space<vmem>>) dst(%dma_wait3A_264 : memref<10000x128xf32, #tpu.memory_space<vmem_shared>>)
        tpu.yield
      }) : () -> ()
      %add3A_189 = arith.constant 2 : i32
      %add3A_190 = arith.addi %add3A_145, %add3A_189 : i32
      %mul3A_191 = arith.constant 128 : i32
      %mul3A_192 = arith.muli %add3A_190, %mul3A_191 : i32
      %add3A_193 = arith.addi %mul3A_10, %mul3A_192 : i32
      %dma_start3A_194 = tpu.memref_slice %arg3[%add3A_193] : memref<640000xi32, #tpu.memory_space<hbm>> -> memref<128xi32, #tpu.memory_space<hbm>>
      %dma_start3A_195 = tpu.memref_slice %arg3[%add3A_193] : memref<640000xi32, #tpu.memory_space<hbm>> -> memref<128xi32, #tpu.memory_space<hbm>>
      tpu.enqueue_dma source(%dma_start3A_195 : memref<128xi32, #tpu.memory_space<hbm>>) target(%arg8 : memref<128xi32, #tpu.memory_space<vmem>>) target_semaphore(%arg18 : memref<!tpu.dma_semaphore, #tpu.memory_space<semaphore_mem>>)
      %add3A_196 = arith.constant 320000 : i32
      %add3A_197 = arith.addi %add3A_196, %add3A_193 : i32
      %dma_start3A_198 = tpu.memref_slice %arg3[%add3A_197] : memref<640000xi32, #tpu.memory_space<hbm>> -> memref<128xi32, #tpu.memory_space<hbm>>
      %dma_start3A_199 = tpu.memref_slice %arg3[%add3A_197] : memref<640000xi32, #tpu.memory_space<hbm>> -> memref<128xi32, #tpu.memory_space<hbm>>
      tpu.enqueue_dma source(%dma_start3A_199 : memref<128xi32, #tpu.memory_space<hbm>>) target(%arg10 : memref<128xi32, #tpu.memory_space<vmem>>) target_semaphore(%arg18 : memref<!tpu.dma_semaphore, #tpu.memory_space<semaphore_mem>>)
      %mul3A_200 = arith.constant 2 : i32
      %mul3A_201 = arith.muli %mul3A_200, %scan3A_140 : i32
      %add3A_202 = arith.constant 1 : i32
      %add3A_203 = arith.addi %mul3A_201, %add3A_202 : i32
      %dma_wait3A_204 = arith.constant 0 : i32
      %dma_wait3A_205 = tpu.memref_slice %arg3[%dma_wait3A_204] : memref<640000xi32, #tpu.memory_space<hbm>> -> memref<128xi32, #tpu.memory_space<hbm>>
      %dma_wait3A_206 = arith.constant 0 : i32
      %dma_wait3A_207 = tpu.memref_slice %arg3[%dma_wait3A_206] : memref<640000xi32, #tpu.memory_space<hbm>> -> memref<128xi32, #tpu.memory_space<hbm>>
      tpu.wait_dma2 semaphore(%arg18 : memref<!tpu.dma_semaphore, #tpu.memory_space<semaphore_mem>>) src(%dma_wait3A_207 : memref<128xi32, #tpu.memory_space<hbm>>) dst(%arg8 : memref<128xi32, #tpu.memory_space<vmem>>)
      %dma_wait3A_208 = arith.constant 0 : i32
      %dma_wait3A_209 = tpu.memref_slice %arg3[%dma_wait3A_208] : memref<640000xi32, #tpu.memory_space<hbm>> -> memref<128xi32, #tpu.memory_space<hbm>>
      %dma_wait3A_210 = arith.constant 0 : i32
      %dma_wait3A_211 = tpu.memref_slice %arg3[%dma_wait3A_210] : memref<640000xi32, #tpu.memory_space<hbm>> -> memref<128xi32, #tpu.memory_space<hbm>>
      tpu.wait_dma2 semaphore(%arg18 : memref<!tpu.dma_semaphore, #tpu.memory_space<semaphore_mem>>) src(%dma_wait3A_211 : memref<128xi32, #tpu.memory_space<hbm>>) dst(%arg10 : memref<128xi32, #tpu.memory_space<vmem>>)
      %dma_start3A_212 = arith.constant 0 : i32
      %dma_start3A_213 = arith.constant 0 : i32
      %dma_start3A_214 = tpu.memref_slice %arg12[%dma_start3A_212, %dma_start3A_213] : memref<128x128xf32, #tpu.memory_space<vmem>> -> memref<64x128xf32, #tpu.memory_space<vmem>>
      %dma_start3A_215 = arith.constant 0 : i32
      %dma_start3A_216 = tpu.memref_slice %arg8[%dma_start3A_215] : memref<128xi32, #tpu.memory_space<vmem>> -> memref<64xi32, #tpu.memory_space<vmem>>
      %dma_start3A_217 = arith.constant 0 : i32
      %dma_start3A_218 = arith.constant 0 : i32
      %dma_start3A_219 = tpu.memref_slice %arg2[%dma_start3A_217, %dma_start3A_218] : memref<10000x128xf32, #tpu.memory_space<hbm>> -> memref<10000x128xf32, #tpu.memory_space<hbm>>
      tpu.enqueue_indirect_dma source(%dma_start3A_219 : memref<10000x128xf32, #tpu.memory_space<hbm>>) target(%dma_start3A_214 : memref<64x128xf32, #tpu.memory_space<vmem>>) offsets(%dma_start3A_216 : memref<64xi32, #tpu.memory_space<vmem>>) semaphore(%arg20 : memref<!tpu.dma_semaphore, #tpu.memory_space<semaphore_mem>>)
      %dma_start3A_220 = arith.constant 64 : i32
      %dma_start3A_221 = arith.constant 0 : i32
      %dma_start3A_222 = tpu.memref_slice %arg12[%dma_start3A_220, %dma_start3A_221] : memref<128x128xf32, #tpu.memory_space<vmem>> -> memref<64x128xf32, #tpu.memory_space<vmem>>
      %dma_start3A_223 = arith.constant 64 : i32
      %dma_start3A_224 = tpu.memref_slice %arg8[%dma_start3A_223] : memref<128xi32, #tpu.memory_space<vmem>> -> memref<64xi32, #tpu.memory_space<vmem>>
      %dma_start3A_225 = arith.constant 0 : i32
      %dma_start3A_226 = arith.constant 0 : i32
      %dma_start3A_227 = tpu.memref_slice %arg2[%dma_start3A_225, %dma_start3A_226] : memref<10000x128xf32, #tpu.memory_space<hbm>> -> memref<10000x128xf32, #tpu.memory_space<hbm>>
      tpu.enqueue_indirect_dma source(%dma_start3A_227 : memref<10000x128xf32, #tpu.memory_space<hbm>>) target(%dma_start3A_222 : memref<64x128xf32, #tpu.memory_space<vmem>>) offsets(%dma_start3A_224 : memref<64xi32, #tpu.memory_space<vmem>>) semaphore(%arg20 : memref<!tpu.dma_semaphore, #tpu.memory_space<semaphore_mem>>)
      %get3A_228 = arith.constant 0 : index
      %get3A_229 = tpu.vector_load %arg11[%get3A_228] {strides = array<i32>} : memref<128xi32, #tpu.memory_space<vmem>>, vector<16xi32>,
      tpu.vector_store_idx %arg23[%get3A_229], %broadcast_in_dim3A_11 {add = true} : memref<10000xf32, #tpu.memory_space<vmem>>[vector<16xi32>], vector<16xf32>,
      %get3A_230 = arith.constant 16 : index
      %get3A_231 = tpu.vector_load %arg11[%get3A_230] {strides = array<i32>} : memref<128xi32, #tpu.memory_space<vmem>>, vector<16xi32>,
      tpu.vector_store_idx %arg23[%get3A_231], %broadcast_in_dim3A_11 {add = true} : memref<10000xf32, #tpu.memory_space<vmem>>[vector<16xi32>], vector<16xf32>,
      %get3A_232 = arith.constant 32 : index
      %get3A_233 = tpu.vector_load %arg11[%get3A_232] {strides = array<i32>} : memref<128xi32, #tpu.memory_space<vmem>>, vector<16xi32>,
      tpu.vector_store_idx %arg23[%get3A_233], %broadcast_in_dim3A_11 {add = true} : memref<10000xf32, #tpu.memory_space<vmem>>[vector<16xi32>], vector<16xf32>,
      %get3A_234 = arith.constant 48 : index
      %get3A_235 = tpu.vector_load %arg11[%get3A_234] {strides = array<i32>} : memref<128xi32, #tpu.memory_space<vmem>>, vector<16xi32>,
      tpu.vector_store_idx %arg23[%get3A_235], %broadcast_in_dim3A_11 {add = true} : memref<10000xf32, #tpu.memory_space<vmem>>[vector<16xi32>], vector<16xf32>,
      %get3A_236 = arith.constant 64 : index
      %get3A_237 = tpu.vector_load %arg11[%get3A_236] {strides = array<i32>} : memref<128xi32, #tpu.memory_space<vmem>>, vector<16xi32>,
      tpu.vector_store_idx %arg23[%get3A_237], %broadcast_in_dim3A_11 {add = true} : memref<10000xf32, #tpu.memory_space<vmem>>[vector<16xi32>], vector<16xf32>,
      %get3A_238 = arith.constant 80 : index
      %get3A_239 = tpu.vector_load %arg11[%get3A_238] {strides = array<i32>} : memref<128xi32, #tpu.memory_space<vmem>>, vector<16xi32>,
      tpu.vector_store_idx %arg23[%get3A_239], %broadcast_in_dim3A_11 {add = true} : memref<10000xf32, #tpu.memory_space<vmem>>[vector<16xi32>], vector<16xf32>,
      %get3A_240 = arith.constant 96 : index
      %get3A_241 = tpu.vector_load %arg11[%get3A_240] {strides = array<i32>} : memref<128xi32, #tpu.memory_space<vmem>>, vector<16xi32>,
      tpu.vector_store_idx %arg23[%get3A_241], %broadcast_in_dim3A_11 {add = true} : memref<10000xf32, #tpu.memory_space<vmem>>[vector<16xi32>], vector<16xf32>,
      %get3A_242 = arith.constant 112 : index
      %get3A_243 = tpu.vector_load %arg11[%get3A_242] {strides = array<i32>} : memref<128xi32, #tpu.memory_space<vmem>>, vector<16xi32>,
      tpu.vector_store_idx %arg23[%get3A_243], %broadcast_in_dim3A_11 {add = true} : memref<10000xf32, #tpu.memory_space<vmem>>[vector<16xi32>], vector<16xf32>,
      %dma_wait3A_244 = arith.constant 0 : i32
      %dma_wait3A_245 = arith.constant 0 : i32
      %dma_wait3A_246 = tpu.memref_slice %arg2[%dma_wait3A_244, %dma_wait3A_245] : memref<10000x128xf32, #tpu.memory_space<hbm>> -> memref<10000x128xf32, #tpu.memory_space<hbm>>
      tpu.wait_indirect_dma semaphore(%arg21 : memref<!tpu.dma_semaphore, #tpu.memory_space<semaphore_mem>>) src(%dma_wait3A_246 : memref<10000x128xf32, #tpu.memory_space<hbm>>) dst(%arg13 : memref<128x128xf32, #tpu.memory_space<vmem>>)
      "tpu.region"() ({
        %run_scoped3A = tpu.sem_alloc : memref<!tpu.dma_semaphore, #tpu.memory_space<semaphore_mem>>
        %dma_start3A_259 = arith.constant 0 : i32
        %dma_start3A_260 = arith.constant 0 : i32
        %dma_start3A_261 = tpu.memref_slice %arg17[%dma_start3A_259, %dma_start3A_260] : memref<10000x128xf32, #tpu.memory_space<vmem_shared>> -> memref<10000x128xf32, #tpu.memory_space<vmem_shared>>
        tpu.enqueue_indirect_dma source(%arg13 : memref<128x128xf32, #tpu.memory_space<vmem>>) target(%dma_start3A_261 : memref<10000x128xf32, #tpu.memory_space<vmem_shared>>) offsets(%arg11 : memref<128xi32, #tpu.memory_space<vmem>>) semaphore(%run_scoped3A : memref<!tpu.dma_semaphore, #tpu.memory_space<semaphore_mem>>) {add = true}
        %dma_wait3A_262 = arith.constant 0 : i32
        %dma_wait3A_263 = arith.constant 0 : i32
        %dma_wait3A_264 = tpu.memref_slice %arg17[%dma_wait3A_262, %dma_wait3A_263] : memref<10000x128xf32, #tpu.memory_space<vmem_shared>> -> memref<10000x128xf32, #tpu.memory_space<vmem_shared>>
        tpu.wait_indirect_dma semaphore(%run_scoped3A : memref<!tpu.dma_semaphore, #tpu.memory_space<semaphore_mem>>) src(%arg13 : memref<128x128xf32, #tpu.memory_space<vmem>>) dst(%dma_wait3A_264 : memref<10000x128xf32, #tpu.memory_space<vmem_shared>>)
        tpu.yield
      }) : () -> ()
      %add3A_247 = arith.constant 2 : i32
      %add3A_248 = arith.addi %add3A_203, %add3A_247 : i32
      %mul3A_249 = arith.constant 128 : i32
      %mul3A_250 = arith.muli %add3A_248, %mul3A_249 : i32
      %add3A_251 = arith.addi %mul3A_10, %mul3A_250 : i32
      %dma_start3A_252 = tpu.memref_slice %arg3[%add3A_251] : memref<640000xi32, #tpu.memory_space<hbm>> -> memref<128xi32, #tpu.memory_space<hbm>>
      %dma_start3A_253 = tpu.memref_slice %arg3[%add3A_251] : memref<640000xi32, #tpu.memory_space<hbm>> -> memref<128xi32, #tpu.memory_space<hbm>>
      tpu.enqueue_dma source(%dma_start3A_253 : memref<128xi32, #tpu.memory_space<hbm>>) target(%arg9 : memref<128xi32, #tpu.memory_space<vmem>>) target_semaphore(%arg19 : memref<!tpu.dma_semaphore, #tpu.memory_space<semaphore_mem>>)
      %add3A_254 = arith.constant 320000 : i32
      %add3A_255 = arith.addi %add3A_254, %add3A_251 : i32
      %dma_start3A_256 = tpu.memref_slice %arg3[%add3A_255] : memref<640000xi32, #tpu.memory_space<hbm>> -> memref<128xi32, #tpu.memory_space<hbm>>
      %dma_start3A_257 = tpu.memref_slice %arg3[%add3A_255] : memref<640000xi32, #tpu.memory_space<hbm>> -> memref<128xi32, #tpu.memory_space<hbm>>
      tpu.enqueue_dma source(%dma_start3A_257 : memref<128xi32, #tpu.memory_space<hbm>>) target(%arg11 : memref<128xi32, #tpu.memory_space<vmem>>) target_semaphore(%arg19 : memref<!tpu.dma_semaphore, #tpu.memory_space<semaphore_mem>>)
      %scan3A_258 = arith.constant 0 : i32
      scf.yield %scan3A_258 : i32
    }
    %scan3A_55 = arith.constant 38 : i32
    %dma_wait3A_56 = arith.constant 0 : i32
    %dma_wait3A_57 = tpu.memref_slice %arg3[%dma_wait3A_56] : memref<640000xi32, #tpu.memory_space<hbm>> -> memref<128xi32, #tpu.memory_space<hbm>>
    %dma_wait3A_58 = arith.constant 0 : i32
    %dma_wait3A_59 = tpu.memref_slice %arg3[%dma_wait3A_58] : memref<640000xi32, #tpu.memory_space<hbm>> -> memref<128xi32, #tpu.memory_space<hbm>>
    tpu.wait_dma2 semaphore(%arg19 : memref<!tpu.dma_semaphore, #tpu.memory_space<semaphore_mem>>) src(%dma_wait3A_59 : memref<128xi32, #tpu.memory_space<hbm>>) dst(%arg9 : memref<128xi32, #tpu.memory_space<vmem>>)
    %dma_wait3A_60 = arith.constant 0 : i32
    %dma_wait3A_61 = tpu.memref_slice %arg3[%dma_wait3A_60] : memref<640000xi32, #tpu.memory_space<hbm>> -> memref<128xi32, #tpu.memory_space<hbm>>
    %dma_wait3A_62 = arith.constant 0 : i32
    %dma_wait3A_63 = tpu.memref_slice %arg3[%dma_wait3A_62] : memref<640000xi32, #tpu.memory_space<hbm>> -> memref<128xi32, #tpu.memory_space<hbm>>
    tpu.wait_dma2 semaphore(%arg19 : memref<!tpu.dma_semaphore, #tpu.memory_space<semaphore_mem>>) src(%dma_wait3A_63 : memref<128xi32, #tpu.memory_space<hbm>>) dst(%arg11 : memref<128xi32, #tpu.memory_space<vmem>>)
    %dma_start3A_64 = arith.constant 0 : i32
    %dma_start3A_65 = arith.constant 0 : i32
    %dma_start3A_66 = tpu.memref_slice %arg13[%dma_start3A_64, %dma_start3A_65] : memref<128x128xf32, #tpu.memory_space<vmem>> -> memref<64x128xf32, #tpu.memory_space<vmem>>
    %dma_start3A_67 = arith.constant 0 : i32
    %dma_start3A_68 = tpu.memref_slice %arg9[%dma_start3A_67] : memref<128xi32, #tpu.memory_space<vmem>> -> memref<64xi32, #tpu.memory_space<vmem>>
    %dma_start3A_69 = arith.constant 0 : i32
    %dma_start3A_70 = arith.constant 0 : i32
    %dma_start3A_71 = tpu.memref_slice %arg2[%dma_start3A_69, %dma_start3A_70] : memref<10000x128xf32, #tpu.memory_space<hbm>> -> memref<10000x128xf32, #tpu.memory_space<hbm>>
    tpu.enqueue_indirect_dma source(%dma_start3A_71 : memref<10000x128xf32, #tpu.memory_space<hbm>>) target(%dma_start3A_66 : memref<64x128xf32, #tpu.memory_space<vmem>>) offsets(%dma_start3A_68 : memref<64xi32, #tpu.memory_space<vmem>>) semaphore(%arg21 : memref<!tpu.dma_semaphore, #tpu.memory_space<semaphore_mem>>)
    %dma_start3A_72 = arith.constant 64 : i32
    %dma_start3A_73 = arith.constant 0 : i32
    %dma_start3A_74 = tpu.memref_slice %arg13[%dma_start3A_72, %dma_start3A_73] : memref<128x128xf32, #tpu.memory_space<vmem>> -> memref<64x128xf32, #tpu.memory_space<vmem>>
    %dma_start3A_75 = arith.constant 64 : i32
    %dma_start3A_76 = tpu.memref_slice %arg9[%dma_start3A_75] : memref<128xi32, #tpu.memory_space<vmem>> -> memref<64xi32, #tpu.memory_space<vmem>>
    %dma_start3A_77 = arith.constant 0 : i32
    %dma_start3A_78 = arith.constant 0 : i32
    %dma_start3A_79 = tpu.memref_slice %arg2[%dma_start3A_77, %dma_start3A_78] : memref<10000x128xf32, #tpu.memory_space<hbm>> -> memref<10000x128xf32, #tpu.memory_space<hbm>>
    tpu.enqueue_indirect_dma source(%dma_start3A_79 : memref<10000x128xf32, #tpu.memory_space<hbm>>) target(%dma_start3A_74 : memref<64x128xf32, #tpu.memory_space<vmem>>) offsets(%dma_start3A_76 : memref<64xi32, #tpu.memory_space<vmem>>) semaphore(%arg21 : memref<!tpu.dma_semaphore, #tpu.memory_space<semaphore_mem>>)
    %get3A = arith.constant 0 : index
    %get3A_80 = tpu.vector_load %arg10[%get3A] {strides = array<i32>} : memref<128xi32, #tpu.memory_space<vmem>>, vector<16xi32>,
    tpu.vector_store_idx %arg23[%get3A_80], %broadcast_in_dim3A_11 {add = true} : memref<10000xf32, #tpu.memory_space<vmem>>[vector<16xi32>], vector<16xf32>,
    %get3A_81 = arith.constant 16 : index
    %get3A_82 = tpu.vector_load %arg10[%get3A_81] {strides = array<i32>} : memref<128xi32, #tpu.memory_space<vmem>>, vector<16xi32>,
    tpu.vector_store_idx %arg23[%get3A_82], %broadcast_in_dim3A_11 {add = true} : memref<10000xf32, #tpu.memory_space<vmem>>[vector<16xi32>], vector<16xf32>,
    %get3A_83 = arith.constant 32 : index
    %get3A_84 = tpu.vector_load %arg10[%get3A_83] {strides = array<i32>} : memref<128xi32, #tpu.memory_space<vmem>>, vector<16xi32>,
    tpu.vector_store_idx %arg23[%get3A_84], %broadcast_in_dim3A_11 {add = true} : memref<10000xf32, #tpu.memory_space<vmem>>[vector<16xi32>], vector<16xf32>,
    %get3A_85 = arith.constant 48 : index
    %get3A_86 = tpu.vector_load %arg10[%get3A_85] {strides = array<i32>} : memref<128xi32, #tpu.memory_space<vmem>>, vector<16xi32>,
    tpu.vector_store_idx %arg23[%get3A_86], %broadcast_in_dim3A_11 {add = true} : memref<10000xf32, #tpu.memory_space<vmem>>[vector<16xi32>], vector<16xf32>,
    %get3A_87 = arith.constant 64 : index
    %get3A_88 = tpu.vector_load %arg10[%get3A_87] {strides = array<i32>} : memref<128xi32, #tpu.memory_space<vmem>>, vector<16xi32>,
    tpu.vector_store_idx %arg23[%get3A_88], %broadcast_in_dim3A_11 {add = true} : memref<10000xf32, #tpu.memory_space<vmem>>[vector<16xi32>], vector<16xf32>,
    %get3A_89 = arith.constant 80 : index
    %get3A_90 = tpu.vector_load %arg10[%get3A_89] {strides = array<i32>} : memref<128xi32, #tpu.memory_space<vmem>>, vector<16xi32>,
    tpu.vector_store_idx %arg23[%get3A_90], %broadcast_in_dim3A_11 {add = true} : memref<10000xf32, #tpu.memory_space<vmem>>[vector<16xi32>], vector<16xf32>,
    %get3A_91 = arith.constant 96 : index
    %get3A_92 = tpu.vector_load %arg10[%get3A_91] {strides = array<i32>} : memref<128xi32, #tpu.memory_space<vmem>>, vector<16xi32>,
    tpu.vector_store_idx %arg23[%get3A_92], %broadcast_in_dim3A_11 {add = true} : memref<10000xf32, #tpu.memory_space<vmem>>[vector<16xi32>], vector<16xf32>,
    %get3A_93 = arith.constant 112 : index
    %get3A_94 = tpu.vector_load %arg10[%get3A_93] {strides = array<i32>} : memref<128xi32, #tpu.memory_space<vmem>>, vector<16xi32>,
    tpu.vector_store_idx %arg23[%get3A_94], %broadcast_in_dim3A_11 {add = true} : memref<10000xf32, #tpu.memory_space<vmem>>[vector<16xi32>], vector<16xf32>,
    %dma_wait3A_95 = arith.constant 0 : i32
    %dma_wait3A_96 = arith.constant 0 : i32
    %dma_wait3A_97 = tpu.memref_slice %arg2[%dma_wait3A_95, %dma_wait3A_96] : memref<10000x128xf32, #tpu.memory_space<hbm>> -> memref<10000x128xf32, #tpu.memory_space<hbm>>
    tpu.wait_indirect_dma semaphore(%arg20 : memref<!tpu.dma_semaphore, #tpu.memory_space<semaphore_mem>>) src(%dma_wait3A_97 : memref<10000x128xf32, #tpu.memory_space<hbm>>) dst(%arg12 : memref<128x128xf32, #tpu.memory_space<vmem>>)
    "tpu.region"() ({
      %run_scoped3A = tpu.sem_alloc : memref<!tpu.dma_semaphore, #tpu.memory_space<semaphore_mem>>
      %dma_start3A_140 = arith.constant 0 : i32
      %dma_start3A_141 = arith.constant 0 : i32
      %dma_start3A_142 = tpu.memref_slice %arg17[%dma_start3A_140, %dma_start3A_141] : memref<10000x128xf32, #tpu.memory_space<vmem_shared>> -> memref<10000x128xf32, #tpu.memory_space<vmem_shared>>
      tpu.enqueue_indirect_dma source(%arg12 : memref<128x128xf32, #tpu.memory_space<vmem>>) target(%dma_start3A_142 : memref<10000x128xf32, #tpu.memory_space<vmem_shared>>) offsets(%arg10 : memref<128xi32, #tpu.memory_space<vmem>>) semaphore(%run_scoped3A : memref<!tpu.dma_semaphore, #tpu.memory_space<semaphore_mem>>) {add = true}
      %dma_wait3A_143 = arith.constant 0 : i32
      %dma_wait3A_144 = arith.constant 0 : i32
      %dma_wait3A_145 = tpu.memref_slice %arg17[%dma_wait3A_143, %dma_wait3A_144] : memref<10000x128xf32, #tpu.memory_space<vmem_shared>> -> memref<10000x128xf32, #tpu.memory_space<vmem_shared>>
      tpu.wait_indirect_dma semaphore(%run_scoped3A : memref<!tpu.dma_semaphore, #tpu.memory_space<semaphore_mem>>) src(%arg12 : memref<128x128xf32, #tpu.memory_space<vmem>>) dst(%dma_wait3A_145 : memref<10000x128xf32, #tpu.memory_space<vmem_shared>>)
      tpu.yield
    }) : () -> ()
    %get3A_98 = arith.constant 0 : index
    %get3A_99 = tpu.vector_load %arg11[%get3A_98] {strides = array<i32>} : memref<128xi32, #tpu.memory_space<vmem>>, vector<16xi32>,
    tpu.vector_store_idx %arg23[%get3A_99], %broadcast_in_dim3A_11 {add = true} : memref<10000xf32, #tpu.memory_space<vmem>>[vector<16xi32>], vector<16xf32>,
    %get3A_100 = arith.constant 16 : index
    %get3A_101 = tpu.vector_load %arg11[%get3A_100] {strides = array<i32>} : memref<128xi32, #tpu.memory_space<vmem>>, vector<16xi32>,
    tpu.vector_store_idx %arg23[%get3A_101], %broadcast_in_dim3A_11 {add = true} : memref<10000xf32, #tpu.memory_space<vmem>>[vector<16xi32>], vector<16xf32>,
    %get3A_102 = arith.constant 32 : index
    %get3A_103 = tpu.vector_load %arg11[%get3A_102] {strides = array<i32>} : memref<128xi32, #tpu.memory_space<vmem>>, vector<16xi32>,
    tpu.vector_store_idx %arg23[%get3A_103], %broadcast_in_dim3A_11 {add = true} : memref<10000xf32, #tpu.memory_space<vmem>>[vector<16xi32>], vector<16xf32>,
    %get3A_104 = arith.constant 48 : index
    %get3A_105 = tpu.vector_load %arg11[%get3A_104] {strides = array<i32>} : memref<128xi32, #tpu.memory_space<vmem>>, vector<16xi32>,
    tpu.vector_store_idx %arg23[%get3A_105], %broadcast_in_dim3A_11 {add = true} : memref<10000xf32, #tpu.memory_space<vmem>>[vector<16xi32>], vector<16xf32>,
    %get3A_106 = arith.constant 64 : index
    %get3A_107 = tpu.vector_load %arg11[%get3A_106] {strides = array<i32>} : memref<128xi32, #tpu.memory_space<vmem>>, vector<16xi32>,
    tpu.vector_store_idx %arg23[%get3A_107], %broadcast_in_dim3A_11 {add = true} : memref<10000xf32, #tpu.memory_space<vmem>>[vector<16xi32>], vector<16xf32>,
    %get3A_108 = arith.constant 80 : index
    %get3A_109 = tpu.vector_load %arg11[%get3A_108] {strides = array<i32>} : memref<128xi32, #tpu.memory_space<vmem>>, vector<16xi32>,
    tpu.vector_store_idx %arg23[%get3A_109], %broadcast_in_dim3A_11 {add = true} : memref<10000xf32, #tpu.memory_space<vmem>>[vector<16xi32>], vector<16xf32>,
    %get3A_110 = arith.constant 96 : index
    %get3A_111 = tpu.vector_load %arg11[%get3A_110] {strides = array<i32>} : memref<128xi32, #tpu.memory_space<vmem>>, vector<16xi32>,
    tpu.vector_store_idx %arg23[%get3A_111], %broadcast_in_dim3A_11 {add = true} : memref<10000xf32, #tpu.memory_space<vmem>>[vector<16xi32>], vector<16xf32>,
    %get3A_112 = arith.constant 112 : index
    %get3A_113 = tpu.vector_load %arg11[%get3A_112] {strides = array<i32>} : memref<128xi32, #tpu.memory_space<vmem>>, vector<16xi32>,
    tpu.vector_store_idx %arg23[%get3A_113], %broadcast_in_dim3A_11 {add = true} : memref<10000xf32, #tpu.memory_space<vmem>>[vector<16xi32>], vector<16xf32>,
    %dma_wait3A_114 = arith.constant 0 : i32
    %dma_wait3A_115 = arith.constant 0 : i32
    %dma_wait3A_116 = tpu.memref_slice %arg2[%dma_wait3A_114, %dma_wait3A_115] : memref<10000x128xf32, #tpu.memory_space<hbm>> -> memref<10000x128xf32, #tpu.memory_space<hbm>>
    tpu.wait_indirect_dma semaphore(%arg21 : memref<!tpu.dma_semaphore, #tpu.memory_space<semaphore_mem>>) src(%dma_wait3A_116 : memref<10000x128xf32, #tpu.memory_space<hbm>>) dst(%arg13 : memref<128x128xf32, #tpu.memory_space<vmem>>)
    "tpu.region"() ({
      %run_scoped3A = tpu.sem_alloc : memref<!tpu.dma_semaphore, #tpu.memory_space<semaphore_mem>>
      %dma_start3A_140 = arith.constant 0 : i32
      %dma_start3A_141 = arith.constant 0 : i32
      %dma_start3A_142 = tpu.memref_slice %arg17[%dma_start3A_140, %dma_start3A_141] : memref<10000x128xf32, #tpu.memory_space<vmem_shared>> -> memref<10000x128xf32, #tpu.memory_space<vmem_shared>>
      tpu.enqueue_indirect_dma source(%arg13 : memref<128x128xf32, #tpu.memory_space<vmem>>) target(%dma_start3A_142 : memref<10000x128xf32, #tpu.memory_space<vmem_shared>>) offsets(%arg11 : memref<128xi32, #tpu.memory_space<vmem>>) semaphore(%run_scoped3A : memref<!tpu.dma_semaphore, #tpu.memory_space<semaphore_mem>>) {add = true}
      %dma_wait3A_143 = arith.constant 0 : i32
      %dma_wait3A_144 = arith.constant 0 : i32
      %dma_wait3A_145 = tpu.memref_slice %arg17[%dma_wait3A_143, %dma_wait3A_144] : memref<10000x128xf32, #tpu.memory_space<vmem_shared>> -> memref<10000x128xf32, #tpu.memory_space<vmem_shared>>
      tpu.wait_indirect_dma semaphore(%run_scoped3A : memref<!tpu.dma_semaphore, #tpu.memory_space<semaphore_mem>>) src(%arg13 : memref<128x128xf32, #tpu.memory_space<vmem>>) dst(%dma_wait3A_145 : memref<10000x128xf32, #tpu.memory_space<vmem_shared>>)
      tpu.yield
    }) : () -> ()
    %add3A_117 = arith.constant 9984 : i32
    %add3A_118 = arith.addi %mul3A_10, %add3A_117 : i32
    "tpu.region"() ({
      %run_scoped3A = tpu.sem_alloc : memref<!tpu.dma_semaphore, #tpu.memory_space<semaphore_mem>>
      %dma_start3A_140 = tpu.memref_slice %arg3[%add3A_118] : memref<640000xi32, #tpu.memory_space<hbm>> -> memref<16xi32, #tpu.memory_space<hbm>>
      %dma_start3A_141 = tpu.memref_slice %arg3[%add3A_118] : memref<640000xi32, #tpu.memory_space<hbm>> -> memref<16xi32, #tpu.memory_space<hbm>>
      tpu.enqueue_dma source(%dma_start3A_141 : memref<16xi32, #tpu.memory_space<hbm>>) target(%arg14 : memref<16xi32, #tpu.memory_space<vmem>>) target_semaphore(%run_scoped3A : memref<!tpu.dma_semaphore, #tpu.memory_space<semaphore_mem>>)
      %dma_wait3A_142 = tpu.memref_slice %arg3[%add3A_118] : memref<640000xi32, #tpu.memory_space<hbm>> -> memref<16xi32, #tpu.memory_space<hbm>>
      %dma_wait3A_143 = tpu.memref_slice %arg3[%add3A_118] : memref<640000xi32, #tpu.memory_space<hbm>> -> memref<16xi32, #tpu.memory_space<hbm>>
      tpu.wait_dma2 semaphore(%run_scoped3A : memref<!tpu.dma_semaphore, #tpu.memory_space<semaphore_mem>>) src(%dma_wait3A_143 : memref<16xi32, #tpu.memory_space<hbm>>) dst(%arg14 : memref<16xi32, #tpu.memory_space<vmem>>)
      tpu.yield
    }) : () -> ()
    %add3A_119 = arith.constant 320000 : i32
    %add3A_120 = arith.addi %add3A_119, %add3A_118 : i32
    "tpu.region"() ({
      %run_scoped3A = tpu.sem_alloc : memref<!tpu.dma_semaphore, #tpu.memory_space<semaphore_mem>>
      %dma_start3A_140 = tpu.memref_slice %arg3[%add3A_120] : memref<640000xi32, #tpu.memory_space<hbm>> -> memref<16xi32, #tpu.memory_space<hbm>>
      %dma_start3A_141 = tpu.memref_slice %arg3[%add3A_120] : memref<640000xi32, #tpu.memory_space<hbm>> -> memref<16xi32, #tpu.memory_space<hbm>>
      tpu.enqueue_dma source(%dma_start3A_141 : memref<16xi32, #tpu.memory_space<hbm>>) target(%arg15 : memref<16xi32, #tpu.memory_space<vmem>>) target_semaphore(%run_scoped3A : memref<!tpu.dma_semaphore, #tpu.memory_space<semaphore_mem>>)
      %dma_wait3A_142 = tpu.memref_slice %arg3[%add3A_120] : memref<640000xi32, #tpu.memory_space<hbm>> -> memref<16xi32, #tpu.memory_space<hbm>>
      %dma_wait3A_143 = tpu.memref_slice %arg3[%add3A_120] : memref<640000xi32, #tpu.memory_space<hbm>> -> memref<16xi32, #tpu.memory_space<hbm>>
      tpu.wait_dma2 semaphore(%run_scoped3A : memref<!tpu.dma_semaphore, #tpu.memory_space<semaphore_mem>>) src(%dma_wait3A_143 : memref<16xi32, #tpu.memory_space<hbm>>) dst(%arg15 : memref<16xi32, #tpu.memory_space<vmem>>)
      tpu.yield
    }) : () -> ()
    %dma_start3A_121 = arith.constant 0 : i32
    %dma_start3A_122 = arith.constant 0 : i32
    %dma_start3A_123 = tpu.memref_slice %arg2[%dma_start3A_121, %dma_start3A_122] : memref<10000x128xf32, #tpu.memory_space<hbm>> -> memref<10000x128xf32, #tpu.memory_space<hbm>>
    tpu.enqueue_indirect_dma source(%dma_start3A_123 : memref<10000x128xf32, #tpu.memory_space<hbm>>) target(%arg16 : memref<16x128xf32, #tpu.memory_space<vmem>>) offsets(%arg14 : memref<16xi32, #tpu.memory_space<vmem>>) semaphore(%arg22 : memref<!tpu.dma_semaphore, #tpu.memory_space<semaphore_mem>>)
    %dma_wait3A_124 = arith.constant 0 : i32
    %dma_wait3A_125 = arith.constant 0 : i32
    %dma_wait3A_126 = tpu.memref_slice %arg2[%dma_wait3A_124, %dma_wait3A_125] : memref<10000x128xf32, #tpu.memory_space<hbm>> -> memref<10000x128xf32, #tpu.memory_space<hbm>>
    tpu.wait_indirect_dma semaphore(%arg22 : memref<!tpu.dma_semaphore, #tpu.memory_space<semaphore_mem>>) src(%dma_wait3A_126 : memref<10000x128xf32, #tpu.memory_space<hbm>>) dst(%arg16 : memref<16x128xf32, #tpu.memory_space<vmem>>)
    "tpu.region"() ({
      %run_scoped3A = tpu.sem_alloc : memref<!tpu.dma_semaphore, #tpu.memory_space<semaphore_mem>>
      %dma_start3A_140 = arith.constant 0 : i32
      %dma_start3A_141 = arith.constant 0 : i32
      %dma_start3A_142 = tpu.memref_slice %arg17[%dma_start3A_140, %dma_start3A_141] : memref<10000x128xf32, #tpu.memory_space<vmem_shared>> -> memref<10000x128xf32, #tpu.memory_space<vmem_shared>>
      tpu.enqueue_indirect_dma source(%arg16 : memref<16x128xf32, #tpu.memory_space<vmem>>) target(%dma_start3A_142 : memref<10000x128xf32, #tpu.memory_space<vmem_shared>>) offsets(%arg15 : memref<16xi32, #tpu.memory_space<vmem>>) semaphore(%run_scoped3A : memref<!tpu.dma_semaphore, #tpu.memory_space<semaphore_mem>>) {add = true}
      %dma_wait3A_143 = arith.constant 0 : i32
      %dma_wait3A_144 = arith.constant 0 : i32
      %dma_wait3A_145 = tpu.memref_slice %arg17[%dma_wait3A_143, %dma_wait3A_144] : memref<10000x128xf32, #tpu.memory_space<vmem_shared>> -> memref<10000x128xf32, #tpu.memory_space<vmem_shared>>
      tpu.wait_indirect_dma semaphore(%run_scoped3A : memref<!tpu.dma_semaphore, #tpu.memory_space<semaphore_mem>>) src(%arg16 : memref<16x128xf32, #tpu.memory_space<vmem>>) dst(%dma_wait3A_145 : memref<10000x128xf32, #tpu.memory_space<vmem_shared>>)
      tpu.yield
    }) : () -> ()
    %get3A_127 = arith.constant 0 : index
    %get3A_128 = tpu.vector_load %arg15[%get3A_127] {strides = array<i32>} : memref<16xi32, #tpu.memory_space<vmem>>, vector<16xi32>,
    tpu.vector_store_idx %arg23[%get3A_128], %broadcast_in_dim3A_11 {add = true} : memref<10000xf32, #tpu.memory_space<vmem>>[vector<16xi32>], vector<16xf32>,
    %barrier3A_129 = arith.constant 0 : index
    tpu.barrier barrier_id(%barrier3A_129)
    %convert_element_type3A_130 = arith.extui %eq3A_3 : i1 to i32
    %cond3A_131 = arith.constant 0 : i32
    %cond3A_132 = arith.cmpi ne, %convert_element_type3A_130, %cond3A_131 : i32
    scf.if %cond3A_132 {
      "tpu.region"() ({
        %run_scoped3A = tpu.sem_alloc : memref<!tpu.dma_semaphore, #tpu.memory_space<semaphore_mem>>
        %dma_start3A_140 = arith.constant 0 : i32
        %dma_start3A_141 = tpu.memref_slice %arg6[%arg0, %mul3A_2, %dma_start3A_140] : memref<2x10000x128xf32, #tpu.memory_space<hbm>> -> memref<1x640x128xf32, #tpu.memory_space<hbm>>
        %dma_start3A_142 = tpu.memref_squeeze %dma_start3A_141 : memref<1x640x128xf32, #tpu.memory_space<hbm>> -> memref<640x128xf32, #tpu.memory_space<hbm>>
        %dma_start3A_143 = arith.constant 0 : i32
        %dma_start3A_144 = tpu.memref_slice %arg17[%mul3A_2, %dma_start3A_143] : memref<10000x128xf32, #tpu.memory_space<vmem_shared>> -> memref<640x128xf32, #tpu.memory_space<vmem_shared>>
        tpu.enqueue_dma source(%dma_start3A_144 : memref<640x128xf32, #tpu.memory_space<vmem_shared>>) target(%dma_start3A_142 : memref<640x128xf32, #tpu.memory_space<hbm>>) target_semaphore(%run_scoped3A : memref<!tpu.dma_semaphore, #tpu.memory_space<semaphore_mem>>)
        %dma_wait3A_145 = arith.constant 0 : i32
        %dma_wait3A_146 = tpu.memref_slice %arg6[%arg0, %mul3A_2, %dma_wait3A_145] : memref<2x10000x128xf32, #tpu.memory_space<hbm>> -> memref<1x640x128xf32, #tpu.memory_space<hbm>>
        %dma_wait3A_147 = tpu.memref_squeeze %dma_wait3A_146 : memref<1x640x128xf32, #tpu.memory_space<hbm>> -> memref<640x128xf32, #tpu.memory_space<hbm>>
        %dma_wait3A_148 = arith.constant 0 : i32
        %dma_wait3A_149 = tpu.memref_slice %arg17[%mul3A_2, %dma_wait3A_148] : memref<10000x128xf32, #tpu.memory_space<vmem_shared>> -> memref<640x128xf32, #tpu.memory_space<vmem_shared>>
        tpu.wait_dma2 semaphore(%run_scoped3A : memref<!tpu.dma_semaphore, #tpu.memory_space<semaphore_mem>>) src(%dma_wait3A_149 : memref<640x128xf32, #tpu.memory_space<vmem_shared>>) dst(%dma_wait3A_147 : memref<640x128xf32, #tpu.memory_space<hbm>>)
        tpu.yield
      }) : () -> ()
    } else {
    }
    %not3A_133 = arith.constant true
    %not3A_134 = arith.xori %eq3A_3, %not3A_133 : i1
    %convert_element_type3A_135 = arith.extui %not3A_134 : i1 to i32
    %cond3A_136 = arith.constant 0 : i32
    %cond3A_137 = arith.cmpi ne, %convert_element_type3A_135, %cond3A_136 : i32
    scf.if %cond3A_137 {
      "tpu.region"() ({
        %run_scoped3A = tpu.sem_alloc : memref<!tpu.dma_semaphore, #tpu.memory_space<semaphore_mem>>
        %dma_start3A_140 = arith.constant 0 : i32
        %dma_start3A_141 = tpu.memref_slice %arg6[%arg0, %mul3A_2, %dma_start3A_140] : memref<2x10000x128xf32, #tpu.memory_space<hbm>> -> memref<1x624x128xf32, #tpu.memory_space<hbm>>
        %dma_start3A_142 = tpu.memref_squeeze %dma_start3A_141 : memref<1x624x128xf32, #tpu.memory_space<hbm>> -> memref<624x128xf32, #tpu.memory_space<hbm>>
        %dma_start3A_143 = arith.constant 0 : i32
        %dma_start3A_144 = tpu.memref_slice %arg17[%mul3A_2, %dma_start3A_143] : memref<10000x128xf32, #tpu.memory_space<vmem_shared>> -> memref<624x128xf32, #tpu.memory_space<vmem_shared>>
        tpu.enqueue_dma source(%dma_start3A_144 : memref<624x128xf32, #tpu.memory_space<vmem_shared>>) target(%dma_start3A_142 : memref<624x128xf32, #tpu.memory_space<hbm>>) target_semaphore(%run_scoped3A : memref<!tpu.dma_semaphore, #tpu.memory_space<semaphore_mem>>)
        %dma_wait3A_145 = arith.constant 0 : i32
        %dma_wait3A_146 = tpu.memref_slice %arg6[%arg0, %mul3A_2, %dma_wait3A_145] : memref<2x10000x128xf32, #tpu.memory_space<hbm>> -> memref<1x624x128xf32, #tpu.memory_space<hbm>>
        %dma_wait3A_147 = tpu.memref_squeeze %dma_wait3A_146 : memref<1x624x128xf32, #tpu.memory_space<hbm>> -> memref<624x128xf32, #tpu.memory_space<hbm>>
        %dma_wait3A_148 = arith.constant 0 : i32
        %dma_wait3A_149 = tpu.memref_slice %arg17[%mul3A_2, %dma_wait3A_148] : memref<10000x128xf32, #tpu.memory_space<vmem_shared>> -> memref<624x128xf32, #tpu.memory_space<vmem_shared>>
        tpu.wait_dma2 semaphore(%run_scoped3A : memref<!tpu.dma_semaphore, #tpu.memory_space<semaphore_mem>>) src(%dma_wait3A_149 : memref<624x128xf32, #tpu.memory_space<vmem_shared>>) dst(%dma_wait3A_147 : memref<624x128xf32, #tpu.memory_space<hbm>>)
        tpu.yield
      }) : () -> ()
    } else {
    }
    %mul3A_138 = arith.constant 10000 : i32
    %mul3A_139 = arith.muli %add3A, %mul3A_138 : i32
    "tpu.region"() ({
      %run_scoped3A = tpu.sem_alloc : memref<!tpu.dma_semaphore, #tpu.memory_space<semaphore_mem>>
      %dma_start3A_140 = tpu.memref_slice %arg7[%mul3A_139] : memref<320000xf32, #tpu.memory_space<hbm>> -> memref<10000xf32, #tpu.memory_space<hbm>>
      %dma_start3A_141 = tpu.memref_slice %arg7[%mul3A_139] : memref<320000xf32, #tpu.memory_space<hbm>> -> memref<10000xf32, #tpu.memory_space<hbm>>
      tpu.enqueue_dma source(%arg23 : memref<10000xf32, #tpu.memory_space<vmem>>) target(%dma_start3A_141 : memref<10000xf32, #tpu.memory_space<hbm>>) target_semaphore(%run_scoped3A : memref<!tpu.dma_semaphore, #tpu.memory_space<semaphore_mem>>)
      %dma_wait3A_142 = tpu.memref_slice %arg7[%mul3A_139] : memref<320000xf32, #tpu.memory_space<hbm>> -> memref<10000xf32, #tpu.memory_space<hbm>>
      %dma_wait3A_143 = tpu.memref_slice %arg7[%mul3A_139] : memref<320000xf32, #tpu.memory_space<hbm>> -> memref<10000xf32, #tpu.memory_space<hbm>>
      tpu.wait_dma2 semaphore(%run_scoped3A : memref<!tpu.dma_semaphore, #tpu.memory_space<semaphore_mem>>) src(%arg23 : memref<10000xf32, #tpu.memory_space<vmem>>) dst(%dma_wait3A_143 : memref<10000xf32, #tpu.memory_space<hbm>>)
      tpu.yield
    }) : () -> ()
    return
  }
}

#map = affine_map<(d0, d1) -> (0, 0)>
#map1 = affine_map<(d0, d1) -> (0)>
#map2 = affine_map<(d0, d1) -> (0, 0, 0)>
module attributes {stable_mosaic.version = 14 : i64} {
  func.func @body(%arg0: i32, %arg1: i32, %arg2: memref<10000x128xf32, #tpu.memory_space<hbm>>, %arg3: memref<640000xi32, #tpu.memory_space<hbm>>, %arg4: memref<10000x128xf32, #tpu.memory_space<hbm>>, %arg5: memref<10000xf32, #tpu.memory_space<hbm>>, %arg6: memref<2x10000x128xf32, #tpu.memory_space<hbm>>, %arg7: memref<128xi32, #tpu.memory_space<vmem>>, %arg8: memref<128xi32, #tpu.memory_space<vmem>>, %arg9: memref<128xi32, #tpu.memory_space<vmem>>, %arg10: memref<128xi32, #tpu.memory_space<vmem>>, %arg11: memref<128x128xf32, #tpu.memory_space<vmem>>, %arg12: memref<128x128xf32, #tpu.memory_space<vmem>>, %arg13: memref<16xi32, #tpu.memory_space<vmem>>, %arg14: memref<16xi32, #tpu.memory_space<vmem>>, %arg15: memref<16x128xf32, #tpu.memory_space<vmem>>, %arg16: memref<10000x128xf32, #tpu.memory_space<vmem_shared>>, %arg17: memref<!tpu.dma_semaphore, #tpu.memory_space<semaphore_mem>>, %arg18: memref<!tpu.dma_semaphore, #tpu.memory_space<semaphore_mem>>, %arg19: memref<!tpu.dma_semaphore, #tpu.memory_space<semaphore_mem>>, %arg20: memref<!tpu.dma_semaphore, #tpu.memory_space<semaphore_mem>>, %arg21: memref<!tpu.dma_semaphore, #tpu.memory_space<semaphore_mem>>) attributes {dimension_semantics = [#tpu.dimension_semantics<core_parallel>, #tpu.dimension_semantics<subcore_parallel>], iteration_bounds = array<i64: 2, 16>, scalar_prefetch = 0 : i64, scratch_operands = 15 : i64, tpu.core_type = #tpu.core_type<sc_vector_subcore>, window_params = [{transform_indices = #map}, {transform_indices = #map1}, {transform_indices = #map}, {transform_indices = #map1}, {transform_indices = #map2}]} {
    %mul3A = arith.constant 2 : i32
    %mul3A_0 = arith.muli %arg1, %mul3A : i32
    %add3A = arith.addi %mul3A_0, %arg0 : i32
    %mul3A_1 = arith.constant 624 : i32
    %mul3A_2 = arith.muli %arg1, %mul3A_1 : i32
    %eq3A = arith.constant 15 : i32
    %eq3A_3 = arith.cmpi eq, %arg1, %eq3A : i32
    %convert_element_type3A = arith.extui %eq3A_3 : i1 to i32
    %cond3A = arith.constant 0 : i32
    %cond3A_4 = arith.cmpi ne, %convert_element_type3A, %cond3A : i32
    scf.if %cond3A_4 {
      "tpu.region"() ({
        %run_scoped3A = tpu.sem_alloc : memref<!tpu.dma_semaphore, #tpu.memory_space<semaphore_mem>>
        %dma_start3A_105 = arith.constant 0 : i32
        %dma_start3A_106 = tpu.memref_slice %arg16[%mul3A_2, %dma_start3A_105] : memref<10000x128xf32, #tpu.memory_space<vmem_shared>> -> memref<640x128xf32, #tpu.memory_space<vmem_shared>>
        %dma_start3A_107 = arith.constant 0 : i32
        %dma_start3A_108 = tpu.memref_slice %arg4[%mul3A_2, %dma_start3A_107] : memref<10000x128xf32, #tpu.memory_space<hbm>> -> memref<640x128xf32, #tpu.memory_space<hbm>>
        tpu.enqueue_dma source(%dma_start3A_108 : memref<640x128xf32, #tpu.memory_space<hbm>>) target(%dma_start3A_106 : memref<640x128xf32, #tpu.memory_space<vmem_shared>>) target_semaphore(%run_scoped3A : memref<!tpu.dma_semaphore, #tpu.memory_space<semaphore_mem>>)
        %dma_wait3A_109 = arith.constant 0 : i32
        %dma_wait3A_110 = tpu.memref_slice %arg16[%mul3A_2, %dma_wait3A_109] : memref<10000x128xf32, #tpu.memory_space<vmem_shared>> -> memref<640x128xf32, #tpu.memory_space<vmem_shared>>
        %dma_wait3A_111 = arith.constant 0 : i32
        %dma_wait3A_112 = tpu.memref_slice %arg4[%mul3A_2, %dma_wait3A_111] : memref<10000x128xf32, #tpu.memory_space<hbm>> -> memref<640x128xf32, #tpu.memory_space<hbm>>
        tpu.wait_dma2 semaphore(%run_scoped3A : memref<!tpu.dma_semaphore, #tpu.memory_space<semaphore_mem>>) src(%dma_wait3A_112 : memref<640x128xf32, #tpu.memory_space<hbm>>) dst(%dma_wait3A_110 : memref<640x128xf32, #tpu.memory_space<vmem_shared>>)
        tpu.yield
      }) : () -> ()
    } else {
    }
    %not3A = arith.constant true
    %not3A_5 = arith.xori %eq3A_3, %not3A : i1
    %convert_element_type3A_6 = arith.extui %not3A_5 : i1 to i32
    %cond3A_7 = arith.constant 0 : i32
    %cond3A_8 = arith.cmpi ne, %convert_element_type3A_6, %cond3A_7 : i32
    scf.if %cond3A_8 {
      "tpu.region"() ({
        %run_scoped3A = tpu.sem_alloc : memref<!tpu.dma_semaphore, #tpu.memory_space<semaphore_mem>>
        %dma_start3A_105 = arith.constant 0 : i32
        %dma_start3A_106 = tpu.memref_slice %arg16[%mul3A_2, %dma_start3A_105] : memref<10000x128xf32, #tpu.memory_space<vmem_shared>> -> memref<624x128xf32, #tpu.memory_space<vmem_shared>>
        %dma_start3A_107 = arith.constant 0 : i32
        %dma_start3A_108 = tpu.memref_slice %arg4[%mul3A_2, %dma_start3A_107] : memref<10000x128xf32, #tpu.memory_space<hbm>> -> memref<624x128xf32, #tpu.memory_space<hbm>>
        tpu.enqueue_dma source(%dma_start3A_108 : memref<624x128xf32, #tpu.memory_space<hbm>>) target(%dma_start3A_106 : memref<624x128xf32, #tpu.memory_space<vmem_shared>>) target_semaphore(%run_scoped3A : memref<!tpu.dma_semaphore, #tpu.memory_space<semaphore_mem>>)
        %dma_wait3A_109 = arith.constant 0 : i32
        %dma_wait3A_110 = tpu.memref_slice %arg16[%mul3A_2, %dma_wait3A_109] : memref<10000x128xf32, #tpu.memory_space<vmem_shared>> -> memref<624x128xf32, #tpu.memory_space<vmem_shared>>
        %dma_wait3A_111 = arith.constant 0 : i32
        %dma_wait3A_112 = tpu.memref_slice %arg4[%mul3A_2, %dma_wait3A_111] : memref<10000x128xf32, #tpu.memory_space<hbm>> -> memref<624x128xf32, #tpu.memory_space<hbm>>
        tpu.wait_dma2 semaphore(%run_scoped3A : memref<!tpu.dma_semaphore, #tpu.memory_space<semaphore_mem>>) src(%dma_wait3A_112 : memref<624x128xf32, #tpu.memory_space<hbm>>) dst(%dma_wait3A_110 : memref<624x128xf32, #tpu.memory_space<vmem_shared>>)
        tpu.yield
      }) : () -> ()
    } else {
    }
    %barrier3A = arith.constant 0 : index
    tpu.barrier barrier_id(%barrier3A)
    %mul3A_9 = arith.constant 10000 : i32
    %mul3A_10 = arith.muli %add3A, %mul3A_9 : i32
    %broadcast_in_dim3A = arith.constant 1.000000e+00 : f32
    %broadcast_in_dim3A_11 = vector.broadcast %broadcast_in_dim3A : f32 to vector<16xf32>
    %add3A_12 = arith.constant 0 : i32
    %add3A_13 = arith.addi %mul3A_10, %add3A_12 : i32
    %dma_start3A = tpu.memref_slice %arg3[%add3A_13] : memref<640000xi32, #tpu.memory_space<hbm>> -> memref<128xi32, #tpu.memory_space<hbm>>
    %dma_start3A_14 = tpu.memref_slice %arg3[%add3A_13] : memref<640000xi32, #tpu.memory_space<hbm>> -> memref<128xi32, #tpu.memory_space<hbm>>
    tpu.enqueue_dma source(%dma_start3A_14 : memref<128xi32, #tpu.memory_space<hbm>>) target(%arg7 : memref<128xi32, #tpu.memory_space<vmem>>) target_semaphore(%arg17 : memref<!tpu.dma_semaphore, #tpu.memory_space<semaphore_mem>>)
    %add3A_15 = arith.constant 320000 : i32
    %add3A_16 = arith.addi %add3A_15, %add3A_13 : i32
    %dma_start3A_17 = tpu.memref_slice %arg3[%add3A_16] : memref<640000xi32, #tpu.memory_space<hbm>> -> memref<128xi32, #tpu.memory_space<hbm>>
    %dma_start3A_18 = tpu.memref_slice %arg3[%add3A_16] : memref<640000xi32, #tpu.memory_space<hbm>> -> memref<128xi32, #tpu.memory_space<hbm>>
    tpu.enqueue_dma source(%dma_start3A_18 : memref<128xi32, #tpu.memory_space<hbm>>) target(%arg9 : memref<128xi32, #tpu.memory_space<vmem>>) target_semaphore(%arg17 : memref<!tpu.dma_semaphore, #tpu.memory_space<semaphore_mem>>)
    %add3A_19 = arith.constant 128 : i32
    %add3A_20 = arith.addi %mul3A_10, %add3A_19 : i32
    %dma_start3A_21 = tpu.memref_slice %arg3[%add3A_20] : memref<640000xi32, #tpu.memory_space<hbm>> -> memref<128xi32, #tpu.memory_space<hbm>>
    %dma_start3A_22 = tpu.memref_slice %arg3[%add3A_20] : memref<640000xi32, #tpu.memory_space<hbm>> -> memref<128xi32, #tpu.memory_space<hbm>>
    tpu.enqueue_dma source(%dma_start3A_22 : memref<128xi32, #tpu.memory_space<hbm>>) target(%arg8 : memref<128xi32, #tpu.memory_space<vmem>>) target_semaphore(%arg18 : memref<!tpu.dma_semaphore, #tpu.memory_space<semaphore_mem>>)
    %add3A_23 = arith.constant 320000 : i32
    %add3A_24 = arith.addi %add3A_23, %add3A_20 : i32
    %dma_start3A_25 = tpu.memref_slice %arg3[%add3A_24] : memref<640000xi32, #tpu.memory_space<hbm>> -> memref<128xi32, #tpu.memory_space<hbm>>
    %dma_start3A_26 = tpu.memref_slice %arg3[%add3A_24] : memref<640000xi32, #tpu.memory_space<hbm>> -> memref<128xi32, #tpu.memory_space<hbm>>
    tpu.enqueue_dma source(%dma_start3A_26 : memref<128xi32, #tpu.memory_space<hbm>>) target(%arg10 : memref<128xi32, #tpu.memory_space<vmem>>) target_semaphore(%arg18 : memref<!tpu.dma_semaphore, #tpu.memory_space<semaphore_mem>>)
    %dma_wait3A = arith.constant 0 : i32
    %dma_wait3A_27 = tpu.memref_slice %arg3[%dma_wait3A] : memref<640000xi32, #tpu.memory_space<hbm>> -> memref<128xi32, #tpu.memory_space<hbm>>
    %dma_wait3A_28 = arith.constant 0 : i32
    %dma_wait3A_29 = tpu.memref_slice %arg3[%dma_wait3A_28] : memref<640000xi32, #tpu.memory_space<hbm>> -> memref<128xi32, #tpu.memory_space<hbm>>
    tpu.wait_dma2 semaphore(%arg17 : memref<!tpu.dma_semaphore, #tpu.memory_space<semaphore_mem>>) src(%dma_wait3A_29 : memref<128xi32, #tpu.memory_space<hbm>>) dst(%arg7 : memref<128xi32, #tpu.memory_space<vmem>>)
    %dma_wait3A_30 = arith.constant 0 : i32
    %dma_wait3A_31 = tpu.memref_slice %arg3[%dma_wait3A_30] : memref<640000xi32, #tpu.memory_space<hbm>> -> memref<128xi32, #tpu.memory_space<hbm>>
    %dma_wait3A_32 = arith.constant 0 : i32
    %dma_wait3A_33 = tpu.memref_slice %arg3[%dma_wait3A_32] : memref<640000xi32, #tpu.memory_space<hbm>> -> memref<128xi32, #tpu.memory_space<hbm>>
    tpu.wait_dma2 semaphore(%arg17 : memref<!tpu.dma_semaphore, #tpu.memory_space<semaphore_mem>>) src(%dma_wait3A_33 : memref<128xi32, #tpu.memory_space<hbm>>) dst(%arg9 : memref<128xi32, #tpu.memory_space<vmem>>)
    %dma_start3A_34 = arith.constant 0 : i32
    %dma_start3A_35 = arith.constant 0 : i32
    %dma_start3A_36 = tpu.memref_slice %arg11[%dma_start3A_34, %dma_start3A_35] : memref<128x128xf32, #tpu.memory_space<vmem>> -> memref<64x128xf32, #tpu.memory_space<vmem>>
    %dma_start3A_37 = arith.constant 0 : i32
    %dma_start3A_38 = tpu.memref_slice %arg7[%dma_start3A_37] : memref<128xi32, #tpu.memory_space<vmem>> -> memref<64xi32, #tpu.memory_space<vmem>>
    %dma_start3A_39 = arith.constant 0 : i32
    %dma_start3A_40 = arith.constant 0 : i32
    %dma_start3A_41 = tpu.memref_slice %arg2[%dma_start3A_39, %dma_start3A_40] : memref<10000x128xf32, #tpu.memory_space<hbm>> -> memref<10000x128xf32, #tpu.memory_space<hbm>>
    tpu.enqueue_indirect_dma source(%dma_start3A_41 : memref<10000x128xf32, #tpu.memory_space<hbm>>) target(%dma_start3A_36 : memref<64x128xf32, #tpu.memory_space<vmem>>) offsets(%dma_start3A_38 : memref<64xi32, #tpu.memory_space<vmem>>) semaphore(%arg19 : memref<!tpu.dma_semaphore, #tpu.memory_space<semaphore_mem>>)
    %dma_start3A_42 = arith.constant 64 : i32
    %dma_start3A_43 = arith.constant 0 : i32
    %dma_start3A_44 = tpu.memref_slice %arg11[%dma_start3A_42, %dma_start3A_43] : memref<128x128xf32, #tpu.memory_space<vmem>> -> memref<64x128xf32, #tpu.memory_space<vmem>>
    %dma_start3A_45 = arith.constant 64 : i32
    %dma_start3A_46 = tpu.memref_slice %arg7[%dma_start3A_45] : memref<128xi32, #tpu.memory_space<vmem>> -> memref<64xi32, #tpu.memory_space<vmem>>
    %dma_start3A_47 = arith.constant 0 : i32
    %dma_start3A_48 = arith.constant 0 : i32
    %dma_start3A_49 = tpu.memref_slice %arg2[%dma_start3A_47, %dma_start3A_48] : memref<10000x128xf32, #tpu.memory_space<hbm>> -> memref<10000x128xf32, #tpu.memory_space<hbm>>
    tpu.enqueue_indirect_dma source(%dma_start3A_49 : memref<10000x128xf32, #tpu.memory_space<hbm>>) target(%dma_start3A_44 : memref<64x128xf32, #tpu.memory_space<vmem>>) offsets(%dma_start3A_46 : memref<64xi32, #tpu.memory_space<vmem>>) semaphore(%arg19 : memref<!tpu.dma_semaphore, #tpu.memory_space<semaphore_mem>>)
    %scan3A = arith.constant 0 : i32
    %scan3A_50 = arith.constant 0 : i32
    %scan3A_51 = arith.constant 38 : i32
    %scan3A_52 = arith.addi %scan3A_50, %scan3A_51 : i32
    %scan3A_53 = arith.constant 1 : i32
    %scan3A_54 = scf.for %scan3A_105 = %scan3A_50 to %scan3A_52 step %scan3A_53 iter_args(%scan3A_106 = %scan3A) -> (i32)  : i32 {
      %mul3A_107 = arith.constant 2 : i32
      %mul3A_108 = arith.muli %mul3A_107, %scan3A_105 : i32
      %add3A_109 = arith.constant 0 : i32
      %add3A_110 = arith.addi %mul3A_108, %add3A_109 : i32
      %dma_wait3A_111 = arith.constant 0 : i32
      %dma_wait3A_112 = tpu.memref_slice %arg3[%dma_wait3A_111] : memref<640000xi32, #tpu.memory_space<hbm>> -> memref<128xi32, #tpu.memory_space<hbm>>
      %dma_wait3A_113 = arith.constant 0 : i32
      %dma_wait3A_114 = tpu.memref_slice %arg3[%dma_wait3A_113] : memref<640000xi32, #tpu.memory_space<hbm>> -> memref<128xi32, #tpu.memory_space<hbm>>
      tpu.wait_dma2 semaphore(%arg18 : memref<!tpu.dma_semaphore, #tpu.memory_space<semaphore_mem>>) src(%dma_wait3A_114 : memref<128xi32, #tpu.memory_space<hbm>>) dst(%arg8 : memref<128xi32, #tpu.memory_space<vmem>>)
      %dma_wait3A_115 = arith.constant 0 : i32
      %dma_wait3A_116 = tpu.memref_slice %arg3[%dma_wait3A_115] : memref<640000xi32, #tpu.memory_space<hbm>> -> memref<128xi32, #tpu.memory_space<hbm>>
      %dma_wait3A_117 = arith.constant 0 : i32
      %dma_wait3A_118 = tpu.memref_slice %arg3[%dma_wait3A_117] : memref<640000xi32, #tpu.memory_space<hbm>> -> memref<128xi32, #tpu.memory_space<hbm>>
      tpu.wait_dma2 semaphore(%arg18 : memref<!tpu.dma_semaphore, #tpu.memory_space<semaphore_mem>>) src(%dma_wait3A_118 : memref<128xi32, #tpu.memory_space<hbm>>) dst(%arg10 : memref<128xi32, #tpu.memory_space<vmem>>)
      %dma_start3A_119 = arith.constant 0 : i32
      %dma_start3A_120 = arith.constant 0 : i32
      %dma_start3A_121 = tpu.memref_slice %arg12[%dma_start3A_119, %dma_start3A_120] : memref<128x128xf32, #tpu.memory_space<vmem>> -> memref<64x128xf32, #tpu.memory_space<vmem>>
      %dma_start3A_122 = arith.constant 0 : i32
      %dma_start3A_123 = tpu.memref_slice %arg8[%dma_start3A_122] : memref<128xi32, #tpu.memory_space<vmem>> -> memref<64xi32, #tpu.memory_space<vmem>>
      %dma_start3A_124 = arith.constant 0 : i32
      %dma_start3A_125 = arith.constant 0 : i32
      %dma_start3A_126 = tpu.memref_slice %arg2[%dma_start3A_124, %dma_start3A_125] : memref<10000x128xf32, #tpu.memory_space<hbm>> -> memref<10000x128xf32, #tpu.memory_space<hbm>>
      tpu.enqueue_indirect_dma source(%dma_start3A_126 : memref<10000x128xf32, #tpu.memory_space<hbm>>) target(%dma_start3A_121 : memref<64x128xf32, #tpu.memory_space<vmem>>) offsets(%dma_start3A_123 : memref<64xi32, #tpu.memory_space<vmem>>) semaphore(%arg20 : memref<!tpu.dma_semaphore, #tpu.memory_space<semaphore_mem>>)
      %dma_start3A_127 = arith.constant 64 : i32
      %dma_start3A_128 = arith.constant 0 : i32
      %dma_start3A_129 = tpu.memref_slice %arg12[%dma_start3A_127, %dma_start3A_128] : memref<128x128xf32, #tpu.memory_space<vmem>> -> memref<64x128xf32, #tpu.memory_space<vmem>>
      %dma_start3A_130 = arith.constant 64 : i32
      %dma_start3A_131 = tpu.memref_slice %arg8[%dma_start3A_130] : memref<128xi32, #tpu.memory_space<vmem>> -> memref<64xi32, #tpu.memory_space<vmem>>
      %dma_start3A_132 = arith.constant 0 : i32
      %dma_start3A_133 = arith.constant 0 : i32
      %dma_start3A_134 = tpu.memref_slice %arg2[%dma_start3A_132, %dma_start3A_133] : memref<10000x128xf32, #tpu.memory_space<hbm>> -> memref<10000x128xf32, #tpu.memory_space<hbm>>
      tpu.enqueue_indirect_dma source(%dma_start3A_134 : memref<10000x128xf32, #tpu.memory_space<hbm>>) target(%dma_start3A_129 : memref<64x128xf32, #tpu.memory_space<vmem>>) offsets(%dma_start3A_131 : memref<64xi32, #tpu.memory_space<vmem>>) semaphore(%arg20 : memref<!tpu.dma_semaphore, #tpu.memory_space<semaphore_mem>>)
      %dma_wait3A_135 = arith.constant 0 : i32
      %dma_wait3A_136 = arith.constant 0 : i32
      %dma_wait3A_137 = tpu.memref_slice %arg2[%dma_wait3A_135, %dma_wait3A_136] : memref<10000x128xf32, #tpu.memory_space<hbm>> -> memref<10000x128xf32, #tpu.memory_space<hbm>>
      tpu.wait_indirect_dma semaphore(%arg19 : memref<!tpu.dma_semaphore, #tpu.memory_space<semaphore_mem>>) src(%dma_wait3A_137 : memref<10000x128xf32, #tpu.memory_space<hbm>>) dst(%arg11 : memref<128x128xf32, #tpu.memory_space<vmem>>)
      "tpu.region"() ({
        %run_scoped3A = tpu.sem_alloc : memref<!tpu.dma_semaphore, #tpu.memory_space<semaphore_mem>>
        %dma_start3A_192 = arith.constant 0 : i32
        %dma_start3A_193 = arith.constant 0 : i32
        %dma_start3A_194 = tpu.memref_slice %arg16[%dma_start3A_192, %dma_start3A_193] : memref<10000x128xf32, #tpu.memory_space<vmem_shared>> -> memref<10000x128xf32, #tpu.memory_space<vmem_shared>>
        tpu.enqueue_indirect_dma source(%arg11 : memref<128x128xf32, #tpu.memory_space<vmem>>) target(%dma_start3A_194 : memref<10000x128xf32, #tpu.memory_space<vmem_shared>>) offsets(%arg9 : memref<128xi32, #tpu.memory_space<vmem>>) semaphore(%run_scoped3A : memref<!tpu.dma_semaphore, #tpu.memory_space<semaphore_mem>>) {add = true}
        %dma_wait3A_195 = arith.constant 0 : i32
        %dma_wait3A_196 = arith.constant 0 : i32
        %dma_wait3A_197 = tpu.memref_slice %arg16[%dma_wait3A_195, %dma_wait3A_196] : memref<10000x128xf32, #tpu.memory_space<vmem_shared>> -> memref<10000x128xf32, #tpu.memory_space<vmem_shared>>
        tpu.wait_indirect_dma semaphore(%run_scoped3A : memref<!tpu.dma_semaphore, #tpu.memory_space<semaphore_mem>>) src(%arg11 : memref<128x128xf32, #tpu.memory_space<vmem>>) dst(%dma_wait3A_197 : memref<10000x128xf32, #tpu.memory_space<vmem_shared>>)
        tpu.yield
      }) : () -> ()
      %add3A_138 = arith.constant 2 : i32
      %add3A_139 = arith.addi %add3A_110, %add3A_138 : i32
      %mul3A_140 = arith.constant 128 : i32
      %mul3A_141 = arith.muli %add3A_139, %mul3A_140 : i32
      %add3A_142 = arith.addi %mul3A_10, %mul3A_141 : i32
      %dma_start3A_143 = tpu.memref_slice %arg3[%add3A_142] : memref<640000xi32, #tpu.memory_space<hbm>> -> memref<128xi32, #tpu.memory_space<hbm>>
      %dma_start3A_144 = tpu.memref_slice %arg3[%add3A_142] : memref<640000xi32, #tpu.memory_space<hbm>> -> memref<128xi32, #tpu.memory_space<hbm>>
      tpu.enqueue_dma source(%dma_start3A_144 : memref<128xi32, #tpu.memory_space<hbm>>) target(%arg7 : memref<128xi32, #tpu.memory_space<vmem>>) target_semaphore(%arg17 : memref<!tpu.dma_semaphore, #tpu.memory_space<semaphore_mem>>)
      %add3A_145 = arith.constant 320000 : i32
      %add3A_146 = arith.addi %add3A_145, %add3A_142 : i32
      %dma_start3A_147 = tpu.memref_slice %arg3[%add3A_146] : memref<640000xi32, #tpu.memory_space<hbm>> -> memref<128xi32, #tpu.memory_space<hbm>>
      %dma_start3A_148 = tpu.memref_slice %arg3[%add3A_146] : memref<640000xi32, #tpu.memory_space<hbm>> -> memref<128xi32, #tpu.memory_space<hbm>>
      tpu.enqueue_dma source(%dma_start3A_148 : memref<128xi32, #tpu.memory_space<hbm>>) target(%arg9 : memref<128xi32, #tpu.memory_space<vmem>>) target_semaphore(%arg17 : memref<!tpu.dma_semaphore, #tpu.memory_space<semaphore_mem>>)
      %mul3A_149 = arith.constant 2 : i32
      %mul3A_150 = arith.muli %mul3A_149, %scan3A_105 : i32
      %add3A_151 = arith.constant 1 : i32
      %add3A_152 = arith.addi %mul3A_150, %add3A_151 : i32
      %dma_wait3A_153 = arith.constant 0 : i32
      %dma_wait3A_154 = tpu.memref_slice %arg3[%dma_wait3A_153] : memref<640000xi32, #tpu.memory_space<hbm>> -> memref<128xi32, #tpu.memory_space<hbm>>
      %dma_wait3A_155 = arith.constant 0 : i32
      %dma_wait3A_156 = tpu.memref_slice %arg3[%dma_wait3A_155] : memref<640000xi32, #tpu.memory_space<hbm>> -> memref<128xi32, #tpu.memory_space<hbm>>
      tpu.wait_dma2 semaphore(%arg17 : memref<!tpu.dma_semaphore, #tpu.memory_space<semaphore_mem>>) src(%dma_wait3A_156 : memref<128xi32, #tpu.memory_space<hbm>>) dst(%arg7 : memref<128xi32, #tpu.memory_space<vmem>>)
      %dma_wait3A_157 = arith.constant 0 : i32
      %dma_wait3A_158 = tpu.memref_slice %arg3[%dma_wait3A_157] : memref<640000xi32, #tpu.memory_space<hbm>> -> memref<128xi32, #tpu.memory_space<hbm>>
      %dma_wait3A_159 = arith.constant 0 : i32
      %dma_wait3A_160 = tpu.memref_slice %arg3[%dma_wait3A_159] : memref<640000xi32, #tpu.memory_space<hbm>> -> memref<128xi32, #tpu.memory_space<hbm>>
      tpu.wait_dma2 semaphore(%arg17 : memref<!tpu.dma_semaphore, #tpu.memory_space<semaphore_mem>>) src(%dma_wait3A_160 : memref<128xi32, #tpu.memory_space<hbm>>) dst(%arg9 : memref<128xi32, #tpu.memory_space<vmem>>)
      %dma_start3A_161 = arith.constant 0 : i32
      %dma_start3A_162 = arith.constant 0 : i32
      %dma_start3A_163 = tpu.memref_slice %arg11[%dma_start3A_161, %dma_start3A_162] : memref<128x128xf32, #tpu.memory_space<vmem>> -> memref<64x128xf32, #tpu.memory_space<vmem>>
      %dma_start3A_164 = arith.constant 0 : i32
      %dma_start3A_165 = tpu.memref_slice %arg7[%dma_start3A_164] : memref<128xi32, #tpu.memory_space<vmem>> -> memref<64xi32, #tpu.memory_space<vmem>>
      %dma_start3A_166 = arith.constant 0 : i32
      %dma_start3A_167 = arith.constant 0 : i32
      %dma_start3A_168 = tpu.memref_slice %arg2[%dma_start3A_166, %dma_start3A_167] : memref<10000x128xf32, #tpu.memory_space<hbm>> -> memref<10000x128xf32, #tpu.memory_space<hbm>>
      tpu.enqueue_indirect_dma source(%dma_start3A_168 : memref<10000x128xf32, #tpu.memory_space<hbm>>) target(%dma_start3A_163 : memref<64x128xf32, #tpu.memory_space<vmem>>) offsets(%dma_start3A_165 : memref<64xi32, #tpu.memory_space<vmem>>) semaphore(%arg19 : memref<!tpu.dma_semaphore, #tpu.memory_space<semaphore_mem>>)
      %dma_start3A_169 = arith.constant 64 : i32
      %dma_start3A_170 = arith.constant 0 : i32
      %dma_start3A_171 = tpu.memref_slice %arg11[%dma_start3A_169, %dma_start3A_170] : memref<128x128xf32, #tpu.memory_space<vmem>> -> memref<64x128xf32, #tpu.memory_space<vmem>>
      %dma_start3A_172 = arith.constant 64 : i32
      %dma_start3A_173 = tpu.memref_slice %arg7[%dma_start3A_172] : memref<128xi32, #tpu.memory_space<vmem>> -> memref<64xi32, #tpu.memory_space<vmem>>
      %dma_start3A_174 = arith.constant 0 : i32
      %dma_start3A_175 = arith.constant 0 : i32
      %dma_start3A_176 = tpu.memref_slice %arg2[%dma_start3A_174, %dma_start3A_175] : memref<10000x128xf32, #tpu.memory_space<hbm>> -> memref<10000x128xf32, #tpu.memory_space<hbm>>
      tpu.enqueue_indirect_dma source(%dma_start3A_176 : memref<10000x128xf32, #tpu.memory_space<hbm>>) target(%dma_start3A_171 : memref<64x128xf32, #tpu.memory_space<vmem>>) offsets(%dma_start3A_173 : memref<64xi32, #tpu.memory_space<vmem>>) semaphore(%arg19 : memref<!tpu.dma_semaphore, #tpu.memory_space<semaphore_mem>>)
      %dma_wait3A_177 = arith.constant 0 : i32
      %dma_wait3A_178 = arith.constant 0 : i32
      %dma_wait3A_179 = tpu.memref_slice %arg2[%dma_wait3A_177, %dma_wait3A_178] : memref<10000x128xf32, #tpu.memory_space<hbm>> -> memref<10000x128xf32, #tpu.memory_space<hbm>>
      tpu.wait_indirect_dma semaphore(%arg20 : memref<!tpu.dma_semaphore, #tpu.memory_space<semaphore_mem>>) src(%dma_wait3A_179 : memref<10000x128xf32, #tpu.memory_space<hbm>>) dst(%arg12 : memref<128x128xf32, #tpu.memory_space<vmem>>)
      "tpu.region"() ({
        %run_scoped3A = tpu.sem_alloc : memref<!tpu.dma_semaphore, #tpu.memory_space<semaphore_mem>>
        %dma_start3A_192 = arith.constant 0 : i32
        %dma_start3A_193 = arith.constant 0 : i32
        %dma_start3A_194 = tpu.memref_slice %arg16[%dma_start3A_192, %dma_start3A_193] : memref<10000x128xf32, #tpu.memory_space<vmem_shared>> -> memref<10000x128xf32, #tpu.memory_space<vmem_shared>>
        tpu.enqueue_indirect_dma source(%arg12 : memref<128x128xf32, #tpu.memory_space<vmem>>) target(%dma_start3A_194 : memref<10000x128xf32, #tpu.memory_space<vmem_shared>>) offsets(%arg10 : memref<128xi32, #tpu.memory_space<vmem>>) semaphore(%run_scoped3A : memref<!tpu.dma_semaphore, #tpu.memory_space<semaphore_mem>>) {add = true}
        %dma_wait3A_195 = arith.constant 0 : i32
        %dma_wait3A_196 = arith.constant 0 : i32
        %dma_wait3A_197 = tpu.memref_slice %arg16[%dma_wait3A_195, %dma_wait3A_196] : memref<10000x128xf32, #tpu.memory_space<vmem_shared>> -> memref<10000x128xf32, #tpu.memory_space<vmem_shared>>
        tpu.wait_indirect_dma semaphore(%run_scoped3A : memref<!tpu.dma_semaphore, #tpu.memory_space<semaphore_mem>>) src(%arg12 : memref<128x128xf32, #tpu.memory_space<vmem>>) dst(%dma_wait3A_197 : memref<10000x128xf32, #tpu.memory_space<vmem_shared>>)
        tpu.yield
      }) : () -> ()
      %add3A_180 = arith.constant 2 : i32
      %add3A_181 = arith.addi %add3A_152, %add3A_180 : i32
      %mul3A_182 = arith.constant 128 : i32
      %mul3A_183 = arith.muli %add3A_181, %mul3A_182 : i32
      %add3A_184 = arith.addi %mul3A_10, %mul3A_183 : i32
      %dma_start3A_185 = tpu.memref_slice %arg3[%add3A_184] : memref<640000xi32, #tpu.memory_space<hbm>> -> memref<128xi32, #tpu.memory_space<hbm>>
      %dma_start3A_186 = tpu.memref_slice %arg3[%add3A_184] : memref<640000xi32, #tpu.memory_space<hbm>> -> memref<128xi32, #tpu.memory_space<hbm>>
      tpu.enqueue_dma source(%dma_start3A_186 : memref<128xi32, #tpu.memory_space<hbm>>) target(%arg8 : memref<128xi32, #tpu.memory_space<vmem>>) target_semaphore(%arg18 : memref<!tpu.dma_semaphore, #tpu.memory_space<semaphore_mem>>)
      %add3A_187 = arith.constant 320000 : i32
      %add3A_188 = arith.addi %add3A_187, %add3A_184 : i32
      %dma_start3A_189 = tpu.memref_slice %arg3[%add3A_188] : memref<640000xi32, #tpu.memory_space<hbm>> -> memref<128xi32, #tpu.memory_space<hbm>>
      %dma_start3A_190 = tpu.memref_slice %arg3[%add3A_188] : memref<640000xi32, #tpu.memory_space<hbm>> -> memref<128xi32, #tpu.memory_space<hbm>>
      tpu.enqueue_dma source(%dma_start3A_190 : memref<128xi32, #tpu.memory_space<hbm>>) target(%arg10 : memref<128xi32, #tpu.memory_space<vmem>>) target_semaphore(%arg18 : memref<!tpu.dma_semaphore, #tpu.memory_space<semaphore_mem>>)
      %scan3A_191 = arith.constant 0 : i32
      scf.yield %scan3A_191 : i32
    }
    %scan3A_55 = arith.constant 38 : i32
    %dma_wait3A_56 = arith.constant 0 : i32
    %dma_wait3A_57 = tpu.memref_slice %arg3[%dma_wait3A_56] : memref<640000xi32, #tpu.memory_space<hbm>> -> memref<128xi32, #tpu.memory_space<hbm>>
    %dma_wait3A_58 = arith.constant 0 : i32
    %dma_wait3A_59 = tpu.memref_slice %arg3[%dma_wait3A_58] : memref<640000xi32, #tpu.memory_space<hbm>> -> memref<128xi32, #tpu.memory_space<hbm>>
    tpu.wait_dma2 semaphore(%arg18 : memref<!tpu.dma_semaphore, #tpu.memory_space<semaphore_mem>>) src(%dma_wait3A_59 : memref<128xi32, #tpu.memory_space<hbm>>) dst(%arg8 : memref<128xi32, #tpu.memory_space<vmem>>)
    %dma_wait3A_60 = arith.constant 0 : i32
    %dma_wait3A_61 = tpu.memref_slice %arg3[%dma_wait3A_60] : memref<640000xi32, #tpu.memory_space<hbm>> -> memref<128xi32, #tpu.memory_space<hbm>>
    %dma_wait3A_62 = arith.constant 0 : i32
    %dma_wait3A_63 = tpu.memref_slice %arg3[%dma_wait3A_62] : memref<640000xi32, #tpu.memory_space<hbm>> -> memref<128xi32, #tpu.memory_space<hbm>>
    tpu.wait_dma2 semaphore(%arg18 : memref<!tpu.dma_semaphore, #tpu.memory_space<semaphore_mem>>) src(%dma_wait3A_63 : memref<128xi32, #tpu.memory_space<hbm>>) dst(%arg10 : memref<128xi32, #tpu.memory_space<vmem>>)
    %dma_start3A_64 = arith.constant 0 : i32
    %dma_start3A_65 = arith.constant 0 : i32
    %dma_start3A_66 = tpu.memref_slice %arg12[%dma_start3A_64, %dma_start3A_65] : memref<128x128xf32, #tpu.memory_space<vmem>> -> memref<64x128xf32, #tpu.memory_space<vmem>>
    %dma_start3A_67 = arith.constant 0 : i32
    %dma_start3A_68 = tpu.memref_slice %arg8[%dma_start3A_67] : memref<128xi32, #tpu.memory_space<vmem>> -> memref<64xi32, #tpu.memory_space<vmem>>
    %dma_start3A_69 = arith.constant 0 : i32
    %dma_start3A_70 = arith.constant 0 : i32
    %dma_start3A_71 = tpu.memref_slice %arg2[%dma_start3A_69, %dma_start3A_70] : memref<10000x128xf32, #tpu.memory_space<hbm>> -> memref<10000x128xf32, #tpu.memory_space<hbm>>
    tpu.enqueue_indirect_dma source(%dma_start3A_71 : memref<10000x128xf32, #tpu.memory_space<hbm>>) target(%dma_start3A_66 : memref<64x128xf32, #tpu.memory_space<vmem>>) offsets(%dma_start3A_68 : memref<64xi32, #tpu.memory_space<vmem>>) semaphore(%arg20 : memref<!tpu.dma_semaphore, #tpu.memory_space<semaphore_mem>>)
    %dma_start3A_72 = arith.constant 64 : i32
    %dma_start3A_73 = arith.constant 0 : i32
    %dma_start3A_74 = tpu.memref_slice %arg12[%dma_start3A_72, %dma_start3A_73] : memref<128x128xf32, #tpu.memory_space<vmem>> -> memref<64x128xf32, #tpu.memory_space<vmem>>
    %dma_start3A_75 = arith.constant 64 : i32
    %dma_start3A_76 = tpu.memref_slice %arg8[%dma_start3A_75] : memref<128xi32, #tpu.memory_space<vmem>> -> memref<64xi32, #tpu.memory_space<vmem>>
    %dma_start3A_77 = arith.constant 0 : i32
    %dma_start3A_78 = arith.constant 0 : i32
    %dma_start3A_79 = tpu.memref_slice %arg2[%dma_start3A_77, %dma_start3A_78] : memref<10000x128xf32, #tpu.memory_space<hbm>> -> memref<10000x128xf32, #tpu.memory_space<hbm>>
    tpu.enqueue_indirect_dma source(%dma_start3A_79 : memref<10000x128xf32, #tpu.memory_space<hbm>>) target(%dma_start3A_74 : memref<64x128xf32, #tpu.memory_space<vmem>>) offsets(%dma_start3A_76 : memref<64xi32, #tpu.memory_space<vmem>>) semaphore(%arg20 : memref<!tpu.dma_semaphore, #tpu.memory_space<semaphore_mem>>)
    %dma_wait3A_80 = arith.constant 0 : i32
    %dma_wait3A_81 = arith.constant 0 : i32
    %dma_wait3A_82 = tpu.memref_slice %arg2[%dma_wait3A_80, %dma_wait3A_81] : memref<10000x128xf32, #tpu.memory_space<hbm>> -> memref<10000x128xf32, #tpu.memory_space<hbm>>
    tpu.wait_indirect_dma semaphore(%arg19 : memref<!tpu.dma_semaphore, #tpu.memory_space<semaphore_mem>>) src(%dma_wait3A_82 : memref<10000x128xf32, #tpu.memory_space<hbm>>) dst(%arg11 : memref<128x128xf32, #tpu.memory_space<vmem>>)
    "tpu.region"() ({
      %run_scoped3A = tpu.sem_alloc : memref<!tpu.dma_semaphore, #tpu.memory_space<semaphore_mem>>
      %dma_start3A_105 = arith.constant 0 : i32
      %dma_start3A_106 = arith.constant 0 : i32
      %dma_start3A_107 = tpu.memref_slice %arg16[%dma_start3A_105, %dma_start3A_106] : memref<10000x128xf32, #tpu.memory_space<vmem_shared>> -> memref<10000x128xf32, #tpu.memory_space<vmem_shared>>
      tpu.enqueue_indirect_dma source(%arg11 : memref<128x128xf32, #tpu.memory_space<vmem>>) target(%dma_start3A_107 : memref<10000x128xf32, #tpu.memory_space<vmem_shared>>) offsets(%arg9 : memref<128xi32, #tpu.memory_space<vmem>>) semaphore(%run_scoped3A : memref<!tpu.dma_semaphore, #tpu.memory_space<semaphore_mem>>) {add = true}
      %dma_wait3A_108 = arith.constant 0 : i32
      %dma_wait3A_109 = arith.constant 0 : i32
      %dma_wait3A_110 = tpu.memref_slice %arg16[%dma_wait3A_108, %dma_wait3A_109] : memref<10000x128xf32, #tpu.memory_space<vmem_shared>> -> memref<10000x128xf32, #tpu.memory_space<vmem_shared>>
      tpu.wait_indirect_dma semaphore(%run_scoped3A : memref<!tpu.dma_semaphore, #tpu.memory_space<semaphore_mem>>) src(%arg11 : memref<128x128xf32, #tpu.memory_space<vmem>>) dst(%dma_wait3A_110 : memref<10000x128xf32, #tpu.memory_space<vmem_shared>>)
      tpu.yield
    }) : () -> ()
    %dma_wait3A_83 = arith.constant 0 : i32
    %dma_wait3A_84 = arith.constant 0 : i32
    %dma_wait3A_85 = tpu.memref_slice %arg2[%dma_wait3A_83, %dma_wait3A_84] : memref<10000x128xf32, #tpu.memory_space<hbm>> -> memref<10000x128xf32, #tpu.memory_space<hbm>>
    tpu.wait_indirect_dma semaphore(%arg20 : memref<!tpu.dma_semaphore, #tpu.memory_space<semaphore_mem>>) src(%dma_wait3A_85 : memref<10000x128xf32, #tpu.memory_space<hbm>>) dst(%arg12 : memref<128x128xf32, #tpu.memory_space<vmem>>)
    "tpu.region"() ({
      %run_scoped3A = tpu.sem_alloc : memref<!tpu.dma_semaphore, #tpu.memory_space<semaphore_mem>>
      %dma_start3A_105 = arith.constant 0 : i32
      %dma_start3A_106 = arith.constant 0 : i32
      %dma_start3A_107 = tpu.memref_slice %arg16[%dma_start3A_105, %dma_start3A_106] : memref<10000x128xf32, #tpu.memory_space<vmem_shared>> -> memref<10000x128xf32, #tpu.memory_space<vmem_shared>>
      tpu.enqueue_indirect_dma source(%arg12 : memref<128x128xf32, #tpu.memory_space<vmem>>) target(%dma_start3A_107 : memref<10000x128xf32, #tpu.memory_space<vmem_shared>>) offsets(%arg10 : memref<128xi32, #tpu.memory_space<vmem>>) semaphore(%run_scoped3A : memref<!tpu.dma_semaphore, #tpu.memory_space<semaphore_mem>>) {add = true}
      %dma_wait3A_108 = arith.constant 0 : i32
      %dma_wait3A_109 = arith.constant 0 : i32
      %dma_wait3A_110 = tpu.memref_slice %arg16[%dma_wait3A_108, %dma_wait3A_109] : memref<10000x128xf32, #tpu.memory_space<vmem_shared>> -> memref<10000x128xf32, #tpu.memory_space<vmem_shared>>
      tpu.wait_indirect_dma semaphore(%run_scoped3A : memref<!tpu.dma_semaphore, #tpu.memory_space<semaphore_mem>>) src(%arg12 : memref<128x128xf32, #tpu.memory_space<vmem>>) dst(%dma_wait3A_110 : memref<10000x128xf32, #tpu.memory_space<vmem_shared>>)
      tpu.yield
    }) : () -> ()
    %add3A_86 = arith.constant 9984 : i32
    %add3A_87 = arith.addi %mul3A_10, %add3A_86 : i32
    "tpu.region"() ({
      %run_scoped3A = tpu.sem_alloc : memref<!tpu.dma_semaphore, #tpu.memory_space<semaphore_mem>>
      %dma_start3A_105 = tpu.memref_slice %arg3[%add3A_87] : memref<640000xi32, #tpu.memory_space<hbm>> -> memref<16xi32, #tpu.memory_space<hbm>>
      %dma_start3A_106 = tpu.memref_slice %arg3[%add3A_87] : memref<640000xi32, #tpu.memory_space<hbm>> -> memref<16xi32, #tpu.memory_space<hbm>>
      tpu.enqueue_dma source(%dma_start3A_106 : memref<16xi32, #tpu.memory_space<hbm>>) target(%arg13 : memref<16xi32, #tpu.memory_space<vmem>>) target_semaphore(%run_scoped3A : memref<!tpu.dma_semaphore, #tpu.memory_space<semaphore_mem>>)
      %dma_wait3A_107 = tpu.memref_slice %arg3[%add3A_87] : memref<640000xi32, #tpu.memory_space<hbm>> -> memref<16xi32, #tpu.memory_space<hbm>>
      %dma_wait3A_108 = tpu.memref_slice %arg3[%add3A_87] : memref<640000xi32, #tpu.memory_space<hbm>> -> memref<16xi32, #tpu.memory_space<hbm>>
      tpu.wait_dma2 semaphore(%run_scoped3A : memref<!tpu.dma_semaphore, #tpu.memory_space<semaphore_mem>>) src(%dma_wait3A_108 : memref<16xi32, #tpu.memory_space<hbm>>) dst(%arg13 : memref<16xi32, #tpu.memory_space<vmem>>)
      tpu.yield
    }) : () -> ()
    %add3A_88 = arith.constant 320000 : i32
    %add3A_89 = arith.addi %add3A_88, %add3A_87 : i32
    "tpu.region"() ({
      %run_scoped3A = tpu.sem_alloc : memref<!tpu.dma_semaphore, #tpu.memory_space<semaphore_mem>>
      %dma_start3A_105 = tpu.memref_slice %arg3[%add3A_89] : memref<640000xi32, #tpu.memory_space<hbm>> -> memref<16xi32, #tpu.memory_space<hbm>>
      %dma_start3A_106 = tpu.memref_slice %arg3[%add3A_89] : memref<640000xi32, #tpu.memory_space<hbm>> -> memref<16xi32, #tpu.memory_space<hbm>>
      tpu.enqueue_dma source(%dma_start3A_106 : memref<16xi32, #tpu.memory_space<hbm>>) target(%arg14 : memref<16xi32, #tpu.memory_space<vmem>>) target_semaphore(%run_scoped3A : memref<!tpu.dma_semaphore, #tpu.memory_space<semaphore_mem>>)
      %dma_wait3A_107 = tpu.memref_slice %arg3[%add3A_89] : memref<640000xi32, #tpu.memory_space<hbm>> -> memref<16xi32, #tpu.memory_space<hbm>>
      %dma_wait3A_108 = tpu.memref_slice %arg3[%add3A_89] : memref<640000xi32, #tpu.memory_space<hbm>> -> memref<16xi32, #tpu.memory_space<hbm>>
      tpu.wait_dma2 semaphore(%run_scoped3A : memref<!tpu.dma_semaphore, #tpu.memory_space<semaphore_mem>>) src(%dma_wait3A_108 : memref<16xi32, #tpu.memory_space<hbm>>) dst(%arg14 : memref<16xi32, #tpu.memory_space<vmem>>)
      tpu.yield
    }) : () -> ()
    %dma_start3A_90 = arith.constant 0 : i32
    %dma_start3A_91 = arith.constant 0 : i32
    %dma_start3A_92 = tpu.memref_slice %arg2[%dma_start3A_90, %dma_start3A_91] : memref<10000x128xf32, #tpu.memory_space<hbm>> -> memref<10000x128xf32, #tpu.memory_space<hbm>>
    tpu.enqueue_indirect_dma source(%dma_start3A_92 : memref<10000x128xf32, #tpu.memory_space<hbm>>) target(%arg15 : memref<16x128xf32, #tpu.memory_space<vmem>>) offsets(%arg13 : memref<16xi32, #tpu.memory_space<vmem>>) semaphore(%arg21 : memref<!tpu.dma_semaphore, #tpu.memory_space<semaphore_mem>>)
    %dma_wait3A_93 = arith.constant 0 : i32
    %dma_wait3A_94 = arith.constant 0 : i32
    %dma_wait3A_95 = tpu.memref_slice %arg2[%dma_wait3A_93, %dma_wait3A_94] : memref<10000x128xf32, #tpu.memory_space<hbm>> -> memref<10000x128xf32, #tpu.memory_space<hbm>>
    tpu.wait_indirect_dma semaphore(%arg21 : memref<!tpu.dma_semaphore, #tpu.memory_space<semaphore_mem>>) src(%dma_wait3A_95 : memref<10000x128xf32, #tpu.memory_space<hbm>>) dst(%arg15 : memref<16x128xf32, #tpu.memory_space<vmem>>)
    "tpu.region"() ({
      %run_scoped3A = tpu.sem_alloc : memref<!tpu.dma_semaphore, #tpu.memory_space<semaphore_mem>>
      %dma_start3A_105 = arith.constant 0 : i32
      %dma_start3A_106 = arith.constant 0 : i32
      %dma_start3A_107 = tpu.memref_slice %arg16[%dma_start3A_105, %dma_start3A_106] : memref<10000x128xf32, #tpu.memory_space<vmem_shared>> -> memref<10000x128xf32, #tpu.memory_space<vmem_shared>>
      tpu.enqueue_indirect_dma source(%arg15 : memref<16x128xf32, #tpu.memory_space<vmem>>) target(%dma_start3A_107 : memref<10000x128xf32, #tpu.memory_space<vmem_shared>>) offsets(%arg14 : memref<16xi32, #tpu.memory_space<vmem>>) semaphore(%run_scoped3A : memref<!tpu.dma_semaphore, #tpu.memory_space<semaphore_mem>>) {add = true}
      %dma_wait3A_108 = arith.constant 0 : i32
      %dma_wait3A_109 = arith.constant 0 : i32
      %dma_wait3A_110 = tpu.memref_slice %arg16[%dma_wait3A_108, %dma_wait3A_109] : memref<10000x128xf32, #tpu.memory_space<vmem_shared>> -> memref<10000x128xf32, #tpu.memory_space<vmem_shared>>
      tpu.wait_indirect_dma semaphore(%run_scoped3A : memref<!tpu.dma_semaphore, #tpu.memory_space<semaphore_mem>>) src(%arg15 : memref<16x128xf32, #tpu.memory_space<vmem>>) dst(%dma_wait3A_110 : memref<10000x128xf32, #tpu.memory_space<vmem_shared>>)
      tpu.yield
    }) : () -> ()
    %barrier3A_96 = arith.constant 0 : index
    tpu.barrier barrier_id(%barrier3A_96)
    %convert_element_type3A_97 = arith.extui %eq3A_3 : i1 to i32
    %cond3A_98 = arith.constant 0 : i32
    %cond3A_99 = arith.cmpi ne, %convert_element_type3A_97, %cond3A_98 : i32
    scf.if %cond3A_99 {
      "tpu.region"() ({
        %run_scoped3A = tpu.sem_alloc : memref<!tpu.dma_semaphore, #tpu.memory_space<semaphore_mem>>
        %dma_start3A_105 = arith.constant 0 : i32
        %dma_start3A_106 = tpu.memref_slice %arg6[%arg0, %mul3A_2, %dma_start3A_105] : memref<2x10000x128xf32, #tpu.memory_space<hbm>> -> memref<1x640x128xf32, #tpu.memory_space<hbm>>
        %dma_start3A_107 = tpu.memref_squeeze %dma_start3A_106 : memref<1x640x128xf32, #tpu.memory_space<hbm>> -> memref<640x128xf32, #tpu.memory_space<hbm>>
        %dma_start3A_108 = arith.constant 0 : i32
        %dma_start3A_109 = tpu.memref_slice %arg16[%mul3A_2, %dma_start3A_108] : memref<10000x128xf32, #tpu.memory_space<vmem_shared>> -> memref<640x128xf32, #tpu.memory_space<vmem_shared>>
        tpu.enqueue_dma source(%dma_start3A_109 : memref<640x128xf32, #tpu.memory_space<vmem_shared>>) target(%dma_start3A_107 : memref<640x128xf32, #tpu.memory_space<hbm>>) target_semaphore(%run_scoped3A : memref<!tpu.dma_semaphore, #tpu.memory_space<semaphore_mem>>)
        %dma_wait3A_110 = arith.constant 0 : i32
        %dma_wait3A_111 = tpu.memref_slice %arg6[%arg0, %mul3A_2, %dma_wait3A_110] : memref<2x10000x128xf32, #tpu.memory_space<hbm>> -> memref<1x640x128xf32, #tpu.memory_space<hbm>>
        %dma_wait3A_112 = tpu.memref_squeeze %dma_wait3A_111 : memref<1x640x128xf32, #tpu.memory_space<hbm>> -> memref<640x128xf32, #tpu.memory_space<hbm>>
        %dma_wait3A_113 = arith.constant 0 : i32
        %dma_wait3A_114 = tpu.memref_slice %arg16[%mul3A_2, %dma_wait3A_113] : memref<10000x128xf32, #tpu.memory_space<vmem_shared>> -> memref<640x128xf32, #tpu.memory_space<vmem_shared>>
        tpu.wait_dma2 semaphore(%run_scoped3A : memref<!tpu.dma_semaphore, #tpu.memory_space<semaphore_mem>>) src(%dma_wait3A_114 : memref<640x128xf32, #tpu.memory_space<vmem_shared>>) dst(%dma_wait3A_112 : memref<640x128xf32, #tpu.memory_space<hbm>>)
        tpu.yield
      }) : () -> ()
    } else {
    }
    %not3A_100 = arith.constant true
    %not3A_101 = arith.xori %eq3A_3, %not3A_100 : i1
    %convert_element_type3A_102 = arith.extui %not3A_101 : i1 to i32
    %cond3A_103 = arith.constant 0 : i32
    %cond3A_104 = arith.cmpi ne, %convert_element_type3A_102, %cond3A_103 : i32
    scf.if %cond3A_104 {
      "tpu.region"() ({
        %run_scoped3A = tpu.sem_alloc : memref<!tpu.dma_semaphore, #tpu.memory_space<semaphore_mem>>
        %dma_start3A_105 = arith.constant 0 : i32
        %dma_start3A_106 = tpu.memref_slice %arg6[%arg0, %mul3A_2, %dma_start3A_105] : memref<2x10000x128xf32, #tpu.memory_space<hbm>> -> memref<1x624x128xf32, #tpu.memory_space<hbm>>
        %dma_start3A_107 = tpu.memref_squeeze %dma_start3A_106 : memref<1x624x128xf32, #tpu.memory_space<hbm>> -> memref<624x128xf32, #tpu.memory_space<hbm>>
        %dma_start3A_108 = arith.constant 0 : i32
        %dma_start3A_109 = tpu.memref_slice %arg16[%mul3A_2, %dma_start3A_108] : memref<10000x128xf32, #tpu.memory_space<vmem_shared>> -> memref<624x128xf32, #tpu.memory_space<vmem_shared>>
        tpu.enqueue_dma source(%dma_start3A_109 : memref<624x128xf32, #tpu.memory_space<vmem_shared>>) target(%dma_start3A_107 : memref<624x128xf32, #tpu.memory_space<hbm>>) target_semaphore(%run_scoped3A : memref<!tpu.dma_semaphore, #tpu.memory_space<semaphore_mem>>)
        %dma_wait3A_110 = arith.constant 0 : i32
        %dma_wait3A_111 = tpu.memref_slice %arg6[%arg0, %mul3A_2, %dma_wait3A_110] : memref<2x10000x128xf32, #tpu.memory_space<hbm>> -> memref<1x624x128xf32, #tpu.memory_space<hbm>>
        %dma_wait3A_112 = tpu.memref_squeeze %dma_wait3A_111 : memref<1x624x128xf32, #tpu.memory_space<hbm>> -> memref<624x128xf32, #tpu.memory_space<hbm>>
        %dma_wait3A_113 = arith.constant 0 : i32
        %dma_wait3A_114 = tpu.memref_slice %arg16[%mul3A_2, %dma_wait3A_113] : memref<10000x128xf32, #tpu.memory_space<vmem_shared>> -> memref<624x128xf32, #tpu.memory_space<vmem_shared>>
        tpu.wait_dma2 semaphore(%run_scoped3A : memref<!tpu.dma_semaphore, #tpu.memory_space<semaphore_mem>>) src(%dma_wait3A_114 : memref<624x128xf32, #tpu.memory_space<vmem_shared>>) dst(%dma_wait3A_112 : memref<624x128xf32, #tpu.memory_space<hbm>>)
        tpu.yield
      }) : () -> ()
    } else {
    }
    return
  }
}

module attributes {stable_mosaic.version = 14 : i64} {
  func.func @_mm_bias_kernel(%arg0: i32, %arg1: memref<1000x128xf32, #tpu.memory_space<vmem>>, %arg2: memref<128x128xf32, #tpu.memory_space<vmem>>, %arg3: memref<1x128xf32, #tpu.memory_space<vmem>>, %arg4: memref<1000x128xf32, #tpu.memory_space<vmem>>) attributes {dimension_semantics = [#tpu.dimension_semantics<arbitrary>], iteration_bounds = array<i64: 10>, scalar_prefetch = 0 : i64, scratch_operands = 0 : i64, tpu.core_type = #tpu.core_type<tc>, window_params = [{transform_indices = @transform_0, window_bounds = array<i64: 1000, 128>}, {pipeline_mode = #tpu.pipeline_mode<synchronous>, transform_indices = @transform_1, window_bounds = array<i64: 128, 128>}, {pipeline_mode = #tpu.pipeline_mode<synchronous>, transform_indices = @transform_2, window_bounds = array<i64: 1, 128>}, {transform_indices = @transform_3, window_bounds = array<i64: 1000, 128>}]} {
    %get3A = arith.constant 0 : index
    %get3A_0 = arith.constant 0 : index
    %get3A_1 = vector.load %arg1[%get3A, %get3A_0] : memref<1000x128xf32, #tpu.memory_space<vmem>>, vector<1000x128xf32>
    %get3A_2 = arith.constant 0 : index
    %get3A_3 = arith.constant 0 : index
    %get3A_4 = vector.load %arg2[%get3A_2, %get3A_3] : memref<128x128xf32, #tpu.memory_space<vmem>>, vector<128x128xf32>
    %dot_general3A = arith.constant dense<0.000000e+00> : vector<1000x128xf32>
    %dot_general3A_5 = tpu.matmul %get3A_1, %get3A_4, %dot_general3A {dimension_numbers = #tpu.dot_dimension_numbers<[1], [0], [0], [1], [0, 0, 1, 1], [], []>, transpose_lhs_hint = false} : vector<1000x128xf32>, vector<128x128xf32>, vector<1000x128xf32> -> vector<1000x128xf32>
    %get3A_6 = arith.constant 0 : index
    %get3A_7 = arith.constant 0 : index
    %get3A_8 = vector.load %arg3[%get3A_6, %get3A_7] : memref<1x128xf32, #tpu.memory_space<vmem>>, vector<1x128xf32>
    %add3A = vector.broadcast %get3A_8 : vector<1x128xf32> to vector<1000x128xf32>
    %add3A_9 = arith.addf %dot_general3A_5, %add3A : vector<1000x128xf32>
    %swap3A = arith.constant 0 : index
    %swap3A_10 = arith.constant 0 : index
    %swap3A_11 = vector.load %arg4[%swap3A, %swap3A_10] : memref<1000x128xf32, #tpu.memory_space<vmem>>, vector<1000x128xf32>
    tpu.vector_store %arg4[%swap3A, %swap3A_10], %add3A_9 {strides = array<i32>} : memref<1000x128xf32, #tpu.memory_space<vmem>>, vector<1000x128xf32>,
    return
  }
  func.func @transform_0(%arg0: i32) -> (i32, i32) {
    %c0_i32 = arith.constant 0 : i32
    %c0_i32_0 = arith.constant 0 : i32
    return %arg0, %c0_i32 : i32, i32
  }
  func.func @transform_1(%arg0: i32) -> (i32, i32) {
    %c0_i32 = arith.constant 0 : i32
    %c0_i32_0 = arith.constant 0 : i32
    %c0_i32_1 = arith.constant 0 : i32
    return %c0_i32, %c0_i32_0 : i32, i32
  }
  func.func @transform_2(%arg0: i32) -> (i32, i32) {
    %c0_i32 = arith.constant 0 : i32
    %c0_i32_0 = arith.constant 0 : i32
    %c0_i32_1 = arith.constant 0 : i32
    return %c0_i32, %c0_i32_0 : i32, i32
  }
  func.func @transform_3(%arg0: i32) -> (i32, i32) {
    %c0_i32 = arith.constant 0 : i32
    %c0_i32_0 = arith.constant 0 : i32
    return %arg0, %c0_i32 : i32, i32
  }
}

module attributes {stable_mosaic.version = 14 : i64} {
  func.func @_tc_layer_kernel(%arg0: i32, %arg1: memref<2x1000x128xf32, #tpu.memory_space<vmem>>, %arg2: memref<1000x32xf32, #tpu.memory_space<vmem>>, %arg3: memref<1000x128xf32, #tpu.memory_space<vmem>>, %arg4: memref<128x128xf32, #tpu.memory_space<vmem>>, %arg5: memref<1000x128xf32, #tpu.memory_space<vmem>>) attributes {dimension_semantics = [#tpu.dimension_semantics<arbitrary>], iteration_bounds = array<i64: 10>, scalar_prefetch = 0 : i64, scratch_operands = 0 : i64, tpu.core_type = #tpu.core_type<tc>, window_params = [{transform_indices = @transform_0, window_bounds = array<i64: 2, 1000, 128>}, {transform_indices = @transform_1, window_bounds = array<i64: 1000, 32>}, {transform_indices = @transform_2, window_bounds = array<i64: 1000, 128>}, {pipeline_mode = #tpu.pipeline_mode<synchronous>, transform_indices = @transform_3, window_bounds = array<i64: 128, 128>}, {transform_indices = @transform_4, window_bounds = array<i64: 1000, 128>}]} {
    %get3A = arith.constant 0 : index
    %get3A_0 = arith.constant 0 : index
    %get3A_1 = arith.constant 0 : index
    %get3A_2 = vector.load %arg1[%get3A, %get3A_0, %get3A_1] : memref<2x1000x128xf32, #tpu.memory_space<vmem>>, vector<1x1000x128xf32>
    %get3A_3 = vector.shape_cast %get3A_2 : vector<1x1000x128xf32> to vector<1000x128xf32>
    %get3A_4 = arith.constant 1 : index
    %get3A_5 = arith.constant 0 : index
    %get3A_6 = arith.constant 0 : index
    %get3A_7 = vector.load %arg1[%get3A_4, %get3A_5, %get3A_6] : memref<2x1000x128xf32, #tpu.memory_space<vmem>>, vector<1x1000x128xf32>
    %get3A_8 = vector.shape_cast %get3A_7 : vector<1x1000x128xf32> to vector<1000x128xf32>
    %add3A = arith.addf %get3A_3, %get3A_8 : vector<1000x128xf32>
    %get3A_9 = arith.constant 0 : index
    %get3A_10 = arith.constant 0 : index
    %get3A_11 = vector.load %arg2[%get3A_9, %get3A_10] : memref<1000x32xf32, #tpu.memory_space<vmem>>, vector<1000x32xf32>
    %reduce_sum3A = arith.constant dense<0.000000e+00> : vector<1000xf32>
    %reduce_sum3A_12 = vector.multi_reduction <add>, %get3A_11, %reduce_sum3A [1] : vector<1000x32xf32> to vector<1000xf32>
    %broadcast_in_dim3A = vector.shape_cast %reduce_sum3A_12 : vector<1000xf32> to vector<1000x1xf32>
    %max3A = arith.constant 1.000000e+00 : f32
    %max3A_13 = vector.broadcast %max3A : f32 to vector<1000x1xf32>
    %max3A_14 = arith.maximumf %broadcast_in_dim3A, %max3A_13 : vector<1000x1xf32>
    %div3A = vector.broadcast %max3A_14 : vector<1000x1xf32> to vector<1000x128xf32>
    %div3A_15 = arith.divf %add3A, %div3A : vector<1000x128xf32>
    %get3A_16 = arith.constant 0 : index
    %get3A_17 = arith.constant 0 : index
    %get3A_18 = vector.load %arg4[%get3A_16, %get3A_17] : memref<128x128xf32, #tpu.memory_space<vmem>>, vector<128x128xf32>
    %dot_general3A = arith.constant dense<0.000000e+00> : vector<1000x128xf32>
    %dot_general3A_19 = tpu.matmul %div3A_15, %get3A_18, %dot_general3A {dimension_numbers = #tpu.dot_dimension_numbers<[1], [0], [0], [1], [0, 0, 1, 1], [], []>, transpose_lhs_hint = false} : vector<1000x128xf32>, vector<128x128xf32>, vector<1000x128xf32> -> vector<1000x128xf32>
    %get3A_20 = arith.constant 0 : index
    %get3A_21 = arith.constant 0 : index
    %get3A_22 = vector.load %arg3[%get3A_20, %get3A_21] : memref<1000x128xf32, #tpu.memory_space<vmem>>, vector<1000x128xf32>
    %add3A_23 = arith.addf %dot_general3A_19, %get3A_22 : vector<1000x128xf32>
    %mul3A = arith.mulf %add3A_23, %add3A_23 : vector<1000x128xf32>
    %reduce_sum3A_24 = arith.constant dense<0.000000e+00> : vector<1000xf32>
    %reduce_sum3A_25 = vector.multi_reduction <add>, %mul3A, %reduce_sum3A_24 [1] : vector<1000x128xf32> to vector<1000xf32>
    %broadcast_in_dim3A_26 = vector.shape_cast %reduce_sum3A_25 : vector<1000xf32> to vector<1000x1xf32>
    %sqrt3A = math.sqrt %broadcast_in_dim3A_26 : vector<1000x1xf32>
    %max3A_27 = arith.constant 9.99999996E-13 : f32
    %max3A_28 = vector.broadcast %max3A_27 : f32 to vector<1000x1xf32>
    %max3A_29 = arith.maximumf %sqrt3A, %max3A_28 : vector<1000x1xf32>
    %div3A_30 = vector.broadcast %max3A_29 : vector<1000x1xf32> to vector<1000x128xf32>
    %div3A_31 = arith.divf %add3A_23, %div3A_30 : vector<1000x128xf32>
    %swap3A = arith.constant 0 : index
    %swap3A_32 = arith.constant 0 : index
    %swap3A_33 = vector.load %arg5[%swap3A, %swap3A_32] : memref<1000x128xf32, #tpu.memory_space<vmem>>, vector<1000x128xf32>
    tpu.vector_store %arg5[%swap3A, %swap3A_32], %div3A_31 {strides = array<i32>} : memref<1000x128xf32, #tpu.memory_space<vmem>>, vector<1000x128xf32>,
    return
  }
  func.func @transform_0(%arg0: i32) -> (i32, i32, i32) {
    %c0_i32 = arith.constant 0 : i32
    %c0_i32_0 = arith.constant 0 : i32
    %c0_i32_1 = arith.constant 0 : i32
    return %c0_i32, %arg0, %c0_i32_0 : i32, i32, i32
  }
  func.func @transform_1(%arg0: i32) -> (i32, i32) {
    %c0_i32 = arith.constant 0 : i32
    %c0_i32_0 = arith.constant 0 : i32
    return %arg0, %c0_i32 : i32, i32
  }
  func.func @transform_2(%arg0: i32) -> (i32, i32) {
    %c0_i32 = arith.constant 0 : i32
    %c0_i32_0 = arith.constant 0 : i32
    return %arg0, %c0_i32 : i32, i32
  }
  func.func @transform_3(%arg0: i32) -> (i32, i32) {
    %c0_i32 = arith.constant 0 : i32
    %c0_i32_0 = arith.constant 0 : i32
    %c0_i32_1 = arith.constant 0 : i32
    return %c0_i32, %c0_i32_0 : i32, i32
  }
  func.func @transform_4(%arg0: i32) -> (i32, i32) {
    %c0_i32 = arith.constant 0 : i32
    %c0_i32_0 = arith.constant 0 : i32
    return %arg0, %c0_i32 : i32, i32
  }
}

module attributes {stable_mosaic.version = 14 : i64} {
  func.func @_tc_layer_kernel(%arg0: i32, %arg1: memref<2x1000x128xf32, #tpu.memory_space<vmem>>, %arg2: memref<1000x32xf32, #tpu.memory_space<vmem>>, %arg3: memref<1000x128xf32, #tpu.memory_space<vmem>>, %arg4: memref<128x128xf32, #tpu.memory_space<vmem>>, %arg5: memref<1000x128xf32, #tpu.memory_space<vmem>>) attributes {dimension_semantics = [#tpu.dimension_semantics<arbitrary>], iteration_bounds = array<i64: 10>, scalar_prefetch = 0 : i64, scratch_operands = 0 : i64, tpu.core_type = #tpu.core_type<tc>, window_params = [{transform_indices = @transform_0, window_bounds = array<i64: 2, 1000, 128>}, {transform_indices = @transform_1, window_bounds = array<i64: 1000, 32>}, {transform_indices = @transform_2, window_bounds = array<i64: 1000, 128>}, {pipeline_mode = #tpu.pipeline_mode<synchronous>, transform_indices = @transform_3, window_bounds = array<i64: 128, 128>}, {transform_indices = @transform_4, window_bounds = array<i64: 1000, 128>}]} {
    %get3A = arith.constant 0 : index
    %get3A_0 = arith.constant 0 : index
    %get3A_1 = arith.constant 0 : index
    %get3A_2 = vector.load %arg1[%get3A, %get3A_0, %get3A_1] : memref<2x1000x128xf32, #tpu.memory_space<vmem>>, vector<1x1000x128xf32>
    %get3A_3 = vector.shape_cast %get3A_2 : vector<1x1000x128xf32> to vector<1000x128xf32>
    %get3A_4 = arith.constant 1 : index
    %get3A_5 = arith.constant 0 : index
    %get3A_6 = arith.constant 0 : index
    %get3A_7 = vector.load %arg1[%get3A_4, %get3A_5, %get3A_6] : memref<2x1000x128xf32, #tpu.memory_space<vmem>>, vector<1x1000x128xf32>
    %get3A_8 = vector.shape_cast %get3A_7 : vector<1x1000x128xf32> to vector<1000x128xf32>
    %add3A = arith.addf %get3A_3, %get3A_8 : vector<1000x128xf32>
    %get3A_9 = arith.constant 0 : index
    %get3A_10 = arith.constant 0 : index
    %get3A_11 = vector.load %arg2[%get3A_9, %get3A_10] : memref<1000x32xf32, #tpu.memory_space<vmem>>, vector<1000x32xf32>
    %reduce_sum3A = arith.constant dense<0.000000e+00> : vector<1000xf32>
    %reduce_sum3A_12 = vector.multi_reduction <add>, %get3A_11, %reduce_sum3A [1] : vector<1000x32xf32> to vector<1000xf32>
    %broadcast_in_dim3A = vector.shape_cast %reduce_sum3A_12 : vector<1000xf32> to vector<1000x1xf32>
    %max3A = arith.constant 1.000000e+00 : f32
    %max3A_13 = vector.broadcast %max3A : f32 to vector<1000x1xf32>
    %max3A_14 = arith.maximumf %broadcast_in_dim3A, %max3A_13 : vector<1000x1xf32>
    %div3A = vector.broadcast %max3A_14 : vector<1000x1xf32> to vector<1000x128xf32>
    %div3A_15 = arith.divf %add3A, %div3A : vector<1000x128xf32>
    %get3A_16 = arith.constant 0 : index
    %get3A_17 = arith.constant 0 : index
    %get3A_18 = vector.load %arg4[%get3A_16, %get3A_17] : memref<128x128xf32, #tpu.memory_space<vmem>>, vector<128x128xf32>
    %dot_general3A = arith.constant dense<0.000000e+00> : vector<1000x128xf32>
    %dot_general3A_19 = tpu.matmul %div3A_15, %get3A_18, %dot_general3A {dimension_numbers = #tpu.dot_dimension_numbers<[1], [0], [0], [1], [0, 0, 1, 1], [], []>, transpose_lhs_hint = false} : vector<1000x128xf32>, vector<128x128xf32>, vector<1000x128xf32> -> vector<1000x128xf32>
    %get3A_20 = arith.constant 0 : index
    %get3A_21 = arith.constant 0 : index
    %get3A_22 = vector.load %arg3[%get3A_20, %get3A_21] : memref<1000x128xf32, #tpu.memory_space<vmem>>, vector<1000x128xf32>
    %add3A_23 = arith.addf %dot_general3A_19, %get3A_22 : vector<1000x128xf32>
    %mul3A = arith.mulf %add3A_23, %add3A_23 : vector<1000x128xf32>
    %reduce_sum3A_24 = arith.constant dense<0.000000e+00> : vector<1000xf32>
    %reduce_sum3A_25 = vector.multi_reduction <add>, %mul3A, %reduce_sum3A_24 [1] : vector<1000x128xf32> to vector<1000xf32>
    %broadcast_in_dim3A_26 = vector.shape_cast %reduce_sum3A_25 : vector<1000xf32> to vector<1000x1xf32>
    %sqrt3A = math.sqrt %broadcast_in_dim3A_26 : vector<1000x1xf32>
    %max3A_27 = arith.constant 9.99999996E-13 : f32
    %max3A_28 = vector.broadcast %max3A_27 : f32 to vector<1000x1xf32>
    %max3A_29 = arith.maximumf %sqrt3A, %max3A_28 : vector<1000x1xf32>
    %div3A_30 = vector.broadcast %max3A_29 : vector<1000x1xf32> to vector<1000x128xf32>
    %div3A_31 = arith.divf %add3A_23, %div3A_30 : vector<1000x128xf32>
    %max3A_32 = arith.constant 0.000000e+00 : f32
    %max3A_33 = vector.broadcast %max3A_32 : f32 to vector<1000x128xf32>
    %max3A_34 = arith.maximumf %div3A_31, %max3A_33 : vector<1000x128xf32>
    %swap3A = arith.constant 0 : index
    %swap3A_35 = arith.constant 0 : index
    %swap3A_36 = vector.load %arg5[%swap3A, %swap3A_35] : memref<1000x128xf32, #tpu.memory_space<vmem>>, vector<1000x128xf32>
    tpu.vector_store %arg5[%swap3A, %swap3A_35], %max3A_34 {strides = array<i32>} : memref<1000x128xf32, #tpu.memory_space<vmem>>, vector<1000x128xf32>,
    return
  }
  func.func @transform_0(%arg0: i32) -> (i32, i32, i32) {
    %c0_i32 = arith.constant 0 : i32
    %c0_i32_0 = arith.constant 0 : i32
    %c0_i32_1 = arith.constant 0 : i32
    return %c0_i32, %arg0, %c0_i32_0 : i32, i32, i32
  }
  func.func @transform_1(%arg0: i32) -> (i32, i32) {
    %c0_i32 = arith.constant 0 : i32
    %c0_i32_0 = arith.constant 0 : i32
    return %arg0, %c0_i32 : i32, i32
  }
  func.func @transform_2(%arg0: i32) -> (i32, i32) {
    %c0_i32 = arith.constant 0 : i32
    %c0_i32_0 = arith.constant 0 : i32
    return %arg0, %c0_i32 : i32, i32
  }
  func.func @transform_3(%arg0: i32) -> (i32, i32) {
    %c0_i32 = arith.constant 0 : i32
    %c0_i32_0 = arith.constant 0 : i32
    %c0_i32_1 = arith.constant 0 : i32
    return %c0_i32, %c0_i32_0 : i32, i32
  }
  func.func @transform_4(%arg0: i32) -> (i32, i32) {
    %c0_i32 = arith.constant 0 : i32
    %c0_i32_0 = arith.constant 0 : i32
    return %arg0, %c0_i32 : i32, i32
  }
}

</mosaic_0001>

<sc_bundles>
// kernel: kernel.11.cloned.1.call-start
scs
__scs_entry_jumppad:
0x0: {  	(pc) =	sbr.rel $0x88, $3  }
0x1: {  	(tag) =	ssettag $0x0;
	lr =	simm.s32 $0x1  }
0x2: {  	[smem:$0x3F99] =	sst lr;
	_ =	strace $0xD0000000  }
0x3: {  	_ = 	snop  }
0x4: {  	_ = 	snop  }
0x5: {  	_ = 	snop  }
0x6: {  	_ = 	snop  }
0x7: {  	_ = 	snop  }
__scs_overlays_trampoline_lowered:
0x8: {  	[smem:$0x3FA8] =	sst s0  }
0x9: {  	[smem:$0x3FA9] =	sst s1  }
0xa: {  	[smem:$0x3FAA] =	sst s2  }
0xb: {  	[smem:$0x3FAB] =	sst s3  }
0xc: {  	[smem:$0x3FAC] =	sst s4  }
0xd: {  	[smem:$0x3FAD] =	sst s5  }
0xe: {  	[smem:$0x3FAE] =	sst s6  }
0xf: {  	[smem:$0x3FAF] =	sst s7  }
0x10: {  	[smem:$0x3FB0] =	sst s8  }
0x11: {  	[smem:$0x3FB1] =	sst s9;
	s0 =	simm.s32 @!p0 $0x0  }
0x12: {  	s1 =	sld [smem:$0x3F97];
	s0 =	simm.s32 @p0 $0x1  }
0x13: {  	[smem:$0x3FB2] =	sst s0;
	s0 =	simm.s32 @!p1 $0x0  }
0x14: {  	s2 =	sld [smem:$0x3F96];
	s0 =	simm.s32 @p1 $0x1  }
0x15: {  	[smem:$0x3FB3] =	sst s0;
	s0 =	simm.s32 @!p2 $0x0  }
0x16: {  	s3 =	sld [smem:$0x3FDB];
	s0 =	simm.s32 @p2 $0x1  }
0x17: {  	s4 =	simm.s32 $0x1BF5;
	[smem:$0x3FB5] =	sst s0  }
0x18: {  	s0 =	sld [smem:$0x3F98];
	_ =	swait.ge [sflag:s4], $0x0  }
0x19: {  	s7 =	sld [smem:$0x3F99]  }
0x1a: {  	s8 =	sadd.s32 $0xFFFFE003, lr  }
0x1b: {  	s9 =	sadd.s32 $0xFFFFFEF7, lr;
	s5 =	simm.s32 $0xFFFFFFFF;
	p2 =	slt.u32 s8, $0xFFFFF086  }
0x1c: {  	p1 =	slt.u32 s9, $0xF7A;
	s5 =	simm.s32 @!p2 $0x0  }
0x1d: {  	s5 =	simm.s32 @p1 $0x1;
	p0 =	seq.s32 s7, s2  }
0x1e: {  	s7 =	smul.u32 @!p0 $0xF7A, s2;
	p2 =	seq.s32 @!p0 s5, $0x0  }
0x1f: {  	s9 =	smul.u32 $0xF7A, s1;
	s8 =	simm.s32 @!p0 $0x1BF5;
	p2 =	por !p2, p0  }
0x20: {  	[sflag:s8] =	ssyncset.s32 @!p0 $0xFFFFF086;
	s6 =	sadd.s32 @!p0 s3, s7;
	s7 =	simm.s32 @!p0 $0x108  }
0x21: {  	s3 =	sadd.s32 s3, s9;
	s6 =	sadd.s32 @!p0 $0x88, s6;
	s7 =	simm.s32 @p2 $0x1082  }
0x22: {  	[simem:s7], [sflag:s8] =	dma.local @!p0 [hbm:s6], $0xF7A  }
0x23: {  	s9 =	sor.u32 $0xD0000000, s2;
	s6 =	simm.s32 $0x108;
	_ =	swait.ge @!p0 [sflag:s8], $0x0  }
0x24: {  	s3 =	sadd.s32 $0x88, s3;
	s6 =	simm.s32 @!p1 $0x1082;
	[sflag:s4] =	ssyncset.s32 $0xFFFFF086  }
0x25: {  	[simem:s6], [sflag:s4] =	dma.local [hbm:s3], $0xF7A  }
0x26: {  	[smem:$0x3F99] =	sst s1;
	(tag) =	ssettag s2;
	_ =	strace s9  }
0x27: {  	s1 =	sld [smem:$0x3FA9]  }
0x28: {  	s2 =	sld [smem:$0x3FAA]  }
0x29: {  	s4 =	sld [smem:$0x3FAC]  }
0x2a: {  	p0 =	seq.s32 s5, $0x0;
	s5 =	sld [smem:$0x3FAD]  }
0x2b: {  	s6 =	sld [smem:$0x3FAE]  }
0x2c: {  	s7 =	sld [smem:$0x3FAF]  }
0x2d: {  	s3 =	simm.s32 $0x108;
	s8 =	sld [smem:$0x3FB0]  }
0x2e: {  	s3 =	simm.s32 @!p0 $0x1082;
	s9 =	sld [smem:$0x3FB1]  }
0x2f: {  	lr =	sadd.s32 s0, s3;
	s0 =	sld [smem:$0x3FA8]  }
0x30: {  	s3 =	sld [smem:$0x3FAB]  }
0x31: {  	[smem:$0x3FB4] =	sst s10  }
0x32: {  	s10 =	sld [smem:$0x3FB2];
	_ =	sdelay $0x3  }
0x33: {  	p0 =	seq.s32 s10, $0x1;
	s10 =	sld [smem:$0x3FB4];
	_ =	sdelay $0x3  }
0x34: {  	[smem:$0x3FB4] =	sst s10  }
0x35: {  	s10 =	sld [smem:$0x3FB3];
	_ =	sdelay $0x3  }
0x36: {  	p1 =	seq.s32 s10, $0x1;
	s10 =	sld [smem:$0x3FB4];
	_ =	sdelay $0x3  }
0x37: {  	[smem:$0x3FB4] =	sst s10  }
0x38: {  	s10 =	sld [smem:$0x3FB5]  }
0x39: {  	_ = 	snop;
	(pc) =	sbr.ind lr, $3  }
0x3a: {  	_ = 	snop  }
0x3b: {  	_ = 	snop  }
0x3c: {  	p2 =	seq.s32 s10, $0x1;
	s10 =	sld [smem:$0x3FB4]  }
0x3d: {  	_ =	shalt  }
0x3e: {  	_ =	shalt  }
0x3f: {  	_ =	shalt  }
0x40: {  	_ =	shalt  }
0x41: {  	_ =	shalt  }
0x42: {  	_ =	shalt  }
0x43: {  	_ =	shalt  }
0x44: {  	_ =	shalt  }
0x45: {  	_ =	shalt  }
0x46: {  	_ =	shalt  }
0x47: {  	_ =	shalt  }
0x48: {  	_ =	shalt  }
0x49: {  	_ =	shalt  }
0x4a: {  	_ =	shalt  }
0x4b: {  	_ =	shalt  }
0x4c: {  	_ =	shalt  }
0x4d: {  	_ =	shalt  }
0x4e: {  	_ =	shalt  }
0x4f: {  	_ =	shalt  }
0x50: {  	_ =	shalt  }
0x51: {  	_ =	shalt  }
0x52: {  	_ =	shalt  }
0x53: {  	_ =	shalt  }
0x54: {  	_ =	shalt  }
0x55: {  	_ =	shalt  }
0x56: {  	_ =	shalt  }
0x57: {  	_ =	shalt  }
0x58: {  	_ =	shalt  }
0x59: {  	_ =	shalt  }
0x5a: {  	_ =	shalt  }
0x5b: {  	_ =	shalt  }
0x5c: {  	_ =	shalt  }
0x5d: {  	_ =	shalt  }
0x5e: {  	_ =	shalt  }
0x5f: {  	_ =	shalt  }
0x60: {  	_ =	shalt  }
0x61: {  	_ =	shalt  }
0x62: {  	_ =	shalt  }
0x63: {  	_ =	shalt  }
0x64: {  	_ =	shalt  }
0x65: {  	_ =	shalt  }
0x66: {  	_ =	shalt  }
0x67: {  	_ =	shalt  }
0x68: {  	_ =	shalt  }
0x69: {  	_ =	shalt  }
0x6a: {  	_ =	shalt  }
0x6b: {  	_ =	shalt  }
0x6c: {  	_ =	shalt  }
0x6d: {  	_ =	shalt  }
0x6e: {  	_ =	shalt  }
0x6f: {  	_ =	shalt  }
0x70: {  	_ =	shalt  }
0x71: {  	_ =	shalt  }
0x72: {  	_ =	shalt  }
0x73: {  	_ =	shalt  }
0x74: {  	_ =	shalt  }
0x75: {  	_ =	shalt  }
0x76: {  	_ =	shalt  }
0x77: {  	_ =	shalt  }
0x78: {  	_ =	shalt  }
0x79: {  	_ =	shalt  }
0x7a: {  	_ =	shalt  }
0x7b: {  	_ =	shalt  }
0x7c: {  	_ =	shalt  }
0x7d: {  	_ =	shalt  }
0x7e: {  	_ =	shalt  }
0x7f: {  	_ =	shalt  }
0x80: {  	_ =	shalt  }
0x81: {  	_ =	shalt  }
0x82: {  	_ =	shalt  }
0x83: {  	_ =	shalt  }
0x84: {  	_ =	shalt  }
0x85: {  	_ =	shalt  }
0x86: {  	_ =	shalt  }
0x87: {  	_ =	shalt  }
.Lfunc_end0:
.L_simem_size_0:
called_computation.1_lowered:
.L_overlay_start_0:
0x88: {  	s2 =	sld [smem:$0x3FD9]  }
0x89: {  	s3 =	sld [smem:$0x3FFE];
	_ =	sdelay $0x1  }
0x8a: {  	s1 =	srdreg.scid  }
0x8b: {  	s0 =	sand.u32 $0x1, s1  }
0x8c: {  	s17 =	sshll.u32 s0, $0xA;
	s2 =	sadd.s32 s3, s2  }
0x8d: {  	s2 =	sadd.s32 s2, s17  }
0x8e: {  	[smem:$0x3FC0] =	sst s2  }
0x8f: {  	_ = 	snop  }
0x90: {  	s2 =	sld [smem:$0x3FD0];
	(tm) =	ssettm $0x1  }
0x91: {  	s18 =	sld [smem:$0x3FFB];
	_ =	sdelay $0x3  }
0x92: {  	_ =	strace s18  }
0x93: {  	s3 =	sld [smem:$0x3FFC];
	_ =	sdelay $0x3  }
0x94: {  	_ =	strace s3  }
0x95: {  	s3 =	sld [smem:$0x3FFD];
	_ =	sdelay $0x3  }
0x96: {  	_ =	strace s3  }
0x97: {  	_ =	strace $0x8FFFFFFF  }
0x98: {  	s19 =	sld [smem:$0x3FDB];
	_ =	sdelay $0x1  }
0x99: {  	s4 =	simm.s32 $_scs_section_size  }
0x9a: {  	s5 =	simm.s32 $_size__tile_overlayer_lowered;
	s6 =	simm.s32 $_tile_overlayer_lowered  }
0x9b: {  	s22 =	simm.s32 $0x1BFF;
	s21 =	sshll.u32 s6, $0x1;
	s3 =	sadd.s32 s4, s19  }
0x9c: {  	s7 =	simm.s32 $0x0;
	s20 =	sshll.u32 s5, $0x1;
	s5 =	sadd.s32 s21, s3  }
0x9d: {  	[timem:s7], [sflag:s22] =	dma.local [hbm:s5], s20  }
0x9e: {  	_ =	swait.ge [sflag:s22], s20  }
0x9f: {  	s4 =	ssub.s32 $0x0, s20;
	[sflag:s22] =	ssyncset.done $0x0  }
0xa0: {  	[sflag:s22] =	ssyncadd.s32 s4;
	_ =	sdelay $0x1  }
0xa1: {  	s23 =	simm.s32 $0x1B8B  }
0xa2: {  	_ =	swait.ge [sflag:s23], $0x1  }
0xa3: {  	[sflag:s23] =	ssyncset.done $0x0  }
0xa4: {  	s25 =	simm.s32 $0x1B8E;
	s24 =	sld [smem:$0x3FFE];
	[sflag:s23] =	ssyncadd.s32 $0xFFFFFFFF  }
0xa5: {  	s26 =	simm.s32 $execute0_lowered;
	[smem:$0x3FD2] =	sst s25  }
0xa6: {  	s5 =	sshll.u32 s26, $0x1;
	_ =	strace $0x80000049;
	[dreg:$0x1] =	wrdreg $0xFFFFFFFF  }
0xa7: {  	s28 =	simm.s32 $_size_execute0_lowered;
	s3 =	sadd.s32 s3, s5;
	[dreg:$0x0] =	wrdreg $0x0  }
0xa8: {  	s5 =	sshll.u32 s28, $0x1;
	[dreg:$0x2] =	wrdreg s3  }
0xa9: {  	[dreg:$0x3] =	wrdreg s5  }
0xaa: {  	[dreg:$0x4] =	wrdreg $0xC0  }
0xab: {  	_ =	task [dreg:s7], $0x5FFFF  }
0xac: {  	[dreg:$0x1] =	wrdreg $0xFFFFFFFF  }
0xad: {  	[dreg:$0x0] =	wrdreg $0x60  }
0xae: {  	[dreg:$0x2] =	wrdreg s24  }
0xaf: {  	[dreg:$0x3] =	wrdreg s2  }
0xb0: {  	[dreg:$0x4] =	wrdreg $0x8B000  }
0xb1: {  	[dreg:$0x5] =	wrdreg $0x9  }
0xb2: {  	_ =	task.clear_ibuf [dreg:s7], $0x6FFFF;
	_ =	strace $0x90000049  }
0xb3: {  	s29 =	simm.s32 $0x9;
	_ =	strace $0x8000004B  }
0xb4: {  	_ =	swait.ge [sflag:s29], $0x1  }
0xb5: {  	[sflag:s29] =	ssyncadd.s32 $0xFFFFFFFF  }
0xb6: {  	_ =	strace $0x9000004B  }
0xb7: {  	_ =	sfence  }
0xb8: {  	s30 =	sld [smem:$0x0];
	_ =	sdelay $0x2  }
0xb9: {  	s31 =	sshll.u32 s1, $0xD;
	s1 =	sshrl.u32 s1, $0x2  }
0xba: {  	s3 =	sand.u32 $0x4000, s31;
	s1 =	sadd.s32 s1, s30  }
0xbb: {  	s0 =	sor.u32 s3, s0;
	s1 =	sshll.u32 s1, $0x11  }
0xbc: {  	s0 =	sor.u32 s1, s0  }
0xbd: {  	s0 =	sadd.s32 $0x8F2B, s0  }
0xbe: {  	[sflag:s0] =	ssyncadd.remote.s32 $0x1  }
0xbf: {  	_ =	sfence.sel $0xFFFF  }
0xc0: {  	[dreg:$0x0] =	wrdreg $0xFFFFFFFF;
	(pc) =	sbr.abs _section_cstart, $3  }
0xc1: {  	[dreg:$0x1] =	wrdreg $0xFFFFFFFF  }
0xc2: {  	_ =	task.clear_ibuf [dreg:s7], $0x2FFFF;
	_ =	strace $0x9FFFFFFF  }
0xc3: {  	(tm) =	ssettm $0x7FFFFFFF  }
tec
execute0_lowered:
.L_overlay_start_1:
0x0: {  	(tag) =	ssettag $0x1  }
0x1: {  	s0 =	rddreg [dreg:$0x0]  }
0x2: {  	s3 =	rddreg [dreg:$0x1]  }
0x3: {  	s1 =	rddreg [dreg:$0x2];
	s2 =	simm.s32 $0x0;
	s6 =	srdreg.scid  }
0x4: {  	s12 =	stileid.u32;
	s28 =	simm.s32 $0x1;
	s29 =	simm.s32 $0x40  }
0x5: {  	s30 =	simm.s32 $0x200;
	s31 =	simm.s32 $0x2200;
	s8 =	smul.u32 $0x4E000, s12  }
0x6: {  	[smem:$0x7FF] =	sst s2;
	s4 =	sadd.s32 $0x16600, s0;
	s10 =	smul.u32 $0x2700, s12  }
0x7: {  	s5 =	sadd.s32 $0x2600, s0;
	s0 =	sadd.s32 $0x3D800, s0;
	s15 =	smul.u32 $0x13800, s12  }
0x8: {  	s6 =	sand.u32 $0x1, s6;
	s17 =	smul.u32 $0x4E20, s12;
	p0 =	sne.s32 s12, $0xF  }
0x9: {  	s7 =	sshll.u32 s12, $0x1;
	_ =	strace $0x8000004A;
	s13 =	smul.u32 $0x138800, s6  }
0xa: {  	s9 =	ssub.s32 $0x2, s6;
	s7 =	sor.u32 s6, s7;
	s6 =	smul.u32 $0x2710, s6  }
0xb: {  	s11 =	sshrl.u32 s9, $0x1;
	s8 =	sshrl.u32 s8, $0x2;
	s10 =	sadd.s32 s3, s10  }
0xc: {  	s7 =	smul.u32 $0x2710, s7;
	s3 =	sadd.s32 $0x24900, s3;
	[dreg:$0x5] =	wrdreg s10  }
0xd: {  	s9 =	ssub.s32 s9, s11;
	s8 =	sadd.s32 s8, s1;
	[dreg:$0x7] =	wrdreg s3  }
0xe: {  	s11 =	sadd.s32 $0x124800, s1;
	s3 =	sadd.s32 s15, s13;
	[dreg:$0x4] =	wrdreg s8  }
0xf: {  	s6 =	sadd.s32 s6, s17;
	s17 =	simm.s32 $0x0;
	[dreg:$0x6] =	wrdreg s11  }
0x10: {  	s7 =	sshrl.u32 s7, $0x3;
	s8 =	sshrl.u32 s13, $0x3;
	s3 =	sshrl.u32 s3, $0x3  }
0x11: {  	s21 =	sadd.s32 $0x180, s6;
	s22 =	smax.u32 s9, $0x1;
	s23 =	sadd.s32 $0x4E380, s6  }
0x12: {  	s25 =	sadd.s32 $0x4E300, s6;
	s9 =	simm.s32 $0x6;
	s11 =	simm.s32 $0x4  }
0x13: {  	s14 =	sadd.s32 s5, s7;
	s8 =	sadd.s32 s0, s8;
	s0 =	sadd.s32 s0, s3  }
0x14: {  	[dreg:$0x10] =	wrdreg s22;
	s24 =	sshrl.u32 s23, $0x3;
	s26 =	sshrl.u32 s25, $0x3  }
0x15: {  	s25 =	simm.s32 $0x80;
	s3 =	simm.s32 $0x4200;
	[dreg:$0x8] =	wrdreg s14  }
0x16: {  	s7 =	sadd.s32 $0x9C40, s14;
	s16 =	sadd.s32 $0x10, s14;
	[dreg:$0xe] =	wrdreg s0  }
0x17: {  	s18 =	sadd.s32 $0x9C50, s14;
	s19 =	sadd.s32 $0x4E0, s14;
	[dreg:$0x9] =	wrdreg s7  }
0x18: {  	s10 =	sadd.s32 $0xA120, s14;
	s20 =	sadd.s32 $0x24900, s8;
	[dreg:$0xa] =	wrdreg s16  }
0x19: {  	s0 =	sshrl.u32 s21, $0x3;
	s21 =	sadd.s32 $0x100, s6;
	[dreg:$0xb] =	wrdreg s18  }
0x1a: {  	s22 =	sadd.s32 s26, s5;
	s26 =	simm.s32 $0x180;
	[dreg:$0xc] =	wrdreg s19  }
0x1b: {  	s6 =	simm.s32 $0xC0;
	s8 =	simm.s32 $0x3;
	[dreg:$0xd] =	wrdreg s10  }
0x1c: {  	[dreg:$0xf] =	wrdreg s20;
	s19 =	sadd.s32 s0, s5;
	s20 =	sadd.s32 s24, s5  }
0x1d: {  	s0 =	sshll.u32 @p0 s12, $0x6;
	s24 =	simm.s32 $0x100;
	s7 =	simm.s32 $0x6200  }
0x1e: {  	s16 =	simm.s32 $0x5;
	s23 =	sor.u32 @p0 $0x1C06, s0;
	s0 =	simm.s32 $0x2  }
.LBB2_1:
0x1f: {  	s10 =	rddreg [dreg:$0x4]  }
0x20: {  	s18 =	sshrl.u32 @p0 s10, $0x3;
	s10 =	rddreg [dreg:$0x5]  }
0x21: {  	[spmem:s18], [sflag:s23] =	dma.local @p0 [hbm:s10], $0x2700  }
0x22: {  	s10 =	simm.s32 @p0 $0x6  }
0x23: {  	_ =	swait.ge @p0 [sflag:s10], $0x2700  }
0x24: {  	[sflag:s10] =	ssyncset.done @p0 $0x0  }
0x25: {  	[sflag:s10] =	ssyncadd.s32 @p0 $0xFFFFD900;
	s10 =	rddreg [dreg:$0x6]  }
0x26: {  	s12 =	simm.s32 @!p0 $0x1FC6;
	s13 =	rddreg [dreg:$0x7];
	s10 =	sshrl.u32 @!p0 s10, $0x3  }
0x27: {  	[spmem:s10], [sflag:s12] =	dma.local @!p0 [hbm:s13], $0x2800  }
0x28: {  	s12 =	simm.s32 @!p0 $0x6  }
0x29: {  	_ =	swait.ge @!p0 [sflag:s12], $0x2800  }
0x2a: {  	[sflag:s12] =	ssyncset.done @!p0 $0x0  }
0x2b: {  	[sflag:s12] =	ssyncadd.s32 @!p0 $0xFFFFD800  }
0x2c: {  	[bflag:$0x0] =	sbarrier.arrive $0xFFFF  }
0x2d: {  	s15 =	rddreg [dreg:$0x8]  }
0x2e: {  	[tilespmem:s2], [sflag:$0x1] =	stream.linear.gather [hbm4b:s15+s2], $0x80, $0x38;
	[tilespmem:$0x1C380] =	vst v63  }
0x2f: {  	s13 =	rddreg [dreg:$0x9]  }
0x30: {  	[tilespmem:s24], [sflag:$0x1] =	stream.linear.gather [hbm4b:s13+s2], $0x80, $0x38;
	[tilespmem:$0x1C380] =	vst v63  }
0x31: {  	s14 =	rddreg [dreg:$0xa]  }
0x32: {  	[tilespmem:s25], [sflag:$0x2] =	stream.linear.gather [hbm4b:s14+s2], $0x80, $0x38;
	[tilespmem:$0x1C380] =	vst v63  }
0x33: {  	s15 =	rddreg [dreg:$0xb]  }
0x34: {  	[tilespmem:s26], [sflag:$0x2] =	stream.linear.gather [hbm4b:s15+s2], $0x80, $0x38;
	[tilespmem:$0x1C380] =	vst v63  }
0x35: {  	_ =	swait.ge [sflag:s28], $0x80  }
0x36: {  	[sflag:s28] =	ssyncset.done $0x0  }
0x37: {  	[sflag:s28] =	ssyncadd.s32 $0xFFFFFF80  }
0x38: {  	_ =	swait.ge [sflag:s28], $0x80  }
0x39: {  	[sflag:s28] =	ssyncset.done $0x0  }
0x3a: {  	[sflag:s28] =	ssyncadd.s32 $0xFFFFFF80  }
0x3b: {  	[tilespmem:s30], [sflag:$0x3] =	stream.indirect.gather [hbm4b:s4+s29], $0x80, s2, s29, $0xb8;
	[tilespmem:$0x1C380] =	vst v63  }
0x3c: {  	_ = 	snop  }
0x3d: {  	[tilespmem:s31], [sflag:$0x3] =	stream.indirect.gather [hbm4b:s4+s29], $0x80, s29, s29, $0xb8;
	[tilespmem:$0x1C380] =	vst v63  }
0x3e: {  	_ =	swait.ge [sflag:s0], $0x80  }
0x3f: {  	[sflag:s0] =	ssyncset.done $0x0  }
0x40: {  	[sflag:s0] =	ssyncadd.s32 $0xFFFFFF80  }
0x41: {  	_ =	swait.ge [sflag:s0], $0x80  }
0x42: {  	[sflag:s0] =	ssyncset.done $0x0  }
0x43: {  	[sflag:s0] =	ssyncadd.s32 $0xFFFFFF80  }
0x44: {  	[tilespmem:s3], [sflag:$0x4] =	stream.indirect.gather [hbm4b:s4+s29], $0x80, s25, s29, $0xb8;
	[tilespmem:$0x1C380] =	vst v63  }
0x45: {  	_ = 	snop  }
0x46: {  	[tilespmem:s7], [sflag:$0x4] =	stream.indirect.gather [hbm4b:s4+s29], $0x80, s6, s29, $0xb8;
	[tilespmem:$0x1C380] =	vst v63  }
0x47: {  	_ =	swait.ge [sflag:s8], $0x4000  }
0x48: {  	[sflag:s8] =	ssyncset.done $0x0  }
0x49: {  	[sflag:s8] =	ssyncadd.s32 $0xFFFFC000  }
0x4a: {  	[spmem:s1] =	stream.indirect.scatter.add.f32 [tilespmem:s30], [sflag:$0x6], $0x80, s24, s25, $0xb8;
	[tilespmem:$0x1C380] =	vst v63  }
0x4b: {  	_ =	swait.ge [sflag:s9], $0x4000  }
0x4c: {  	s13 =	sshrl.u32 s21, $0x3;
	[sflag:s9] =	ssyncset.done $0x0  }
0x4d: {  	s12 =	sadd.s32 s5, s13;
	[sflag:s9] =	ssyncadd.s32 $0xFFFFC000  }
0x4e: {  	[tilespmem:s2], [sflag:$0x1] =	stream.linear.gather [hbm4b:s12+s2], $0x80, $0x38;
	[tilespmem:$0x1C380] =	vst v63  }
0x4f: {  	s14 =	sadd.s32 $0x0, s22  }
0x50: {  	[tilespmem:s24], [sflag:$0x1] =	stream.linear.gather [hbm4b:s14+s2], $0x80, $0x38;
	[tilespmem:$0x1C380] =	vst v63  }
0x51: {  	_ =	swait.ge [sflag:s28], $0x80  }
0x52: {  	[sflag:s28] =	ssyncset.done $0x0  }
0x53: {  	[sflag:s28] =	ssyncadd.s32 $0xFFFFFF80  }
0x54: {  	_ =	swait.ge [sflag:s28], $0x80  }
0x55: {  	[sflag:s28] =	ssyncset.done $0x0  }
0x56: {  	[sflag:s28] =	ssyncadd.s32 $0xFFFFFF80  }
0x57: {  	[tilespmem:s30], [sflag:$0x3] =	stream.indirect.gather [hbm4b:s4+s29], $0x80, s2, s29, $0xb8;
	[tilespmem:$0x1C380] =	vst v63  }
0x58: {  	_ = 	snop  }
0x59: {  	[tilespmem:s31], [sflag:$0x3] =	stream.indirect.gather [hbm4b:s4+s29], $0x80, s29, s29, $0xb8;
	[tilespmem:$0x1C380] =	vst v63  }
0x5a: {  	_ =	swait.ge [sflag:s11], $0x4000  }
0x5b: {  	[sflag:s11] =	ssyncset.done $0x0  }
0x5c: {  	[sflag:s11] =	ssyncadd.s32 $0xFFFFC000  }
0x5d: {  	[spmem:s1] =	stream.indirect.scatter.add.f32 [tilespmem:s3], [sflag:$0x6], $0x80, s26, s25, $0xb8;
	[tilespmem:$0x1C380] =	vst v63  }
0x5e: {  	_ =	swait.ge [sflag:s9], $0x4000  }
0x5f: {  	s13 =	sadd.s32 $0x100, s21;
	s15 =	sadd.s32 $0x0, s19;
	[sflag:s9] =	ssyncset.done $0x0  }
0x60: {  	s12 =	simm.s32 $0x20;
	s14 =	sadd.s32 $0x0, s20;
	[sflag:s9] =	ssyncadd.s32 $0xFFFFC000  }
0x61: {  	[tilespmem:s25], [sflag:$0x2] =	stream.linear.gather [hbm4b:s15+s2], $0x80, $0x38;
	[tilespmem:$0x1C380] =	vst v63  }
.LBB2_2:
0x62: {  	[tilespmem:s26], [sflag:$0x2] =	stream.linear.gather [hbm4b:s14+s2], $0x80, $0x38;
	[tilespmem:$0x1C380] =	vst v63  }
0x63: {  	s14 =	smov.u32 s12  }
0x64: {  	p1 =	sne.s32 s12, $0x4A0;
	s12 =	sadd.s32 $0x20, s12;
	_ =	swait.ge [sflag:s0], $0x80  }
0x65: {  	[sflag:s0] =	ssyncset.done $0x0  }
0x66: {  	[sflag:s0] =	ssyncadd.s32 $0xFFFFFF80  }
0x67: {  	_ =	swait.ge [sflag:s0], $0x80  }
0x68: {  	[sflag:s0] =	ssyncset.done $0x0  }
0x69: {  	[sflag:s0] =	ssyncadd.s32 $0xFFFFFF80  }
0x6a: {  	[tilespmem:s3], [sflag:$0x4] =	stream.indirect.gather [hbm4b:s4+s29], $0x80, s25, s29, $0xb8;
	[tilespmem:$0x1C380] =	vst v63  }
0x6b: {  	_ = 	snop  }
0x6c: {  	[tilespmem:s7], [sflag:$0x4] =	stream.indirect.gather [hbm4b:s4+s29], $0x80, s6, s29, $0xb8;
	[tilespmem:$0x1C380] =	vst v63  }
0x6d: {  	_ =	swait.ge [sflag:s8], $0x4000  }
0x6e: {  	[sflag:s8] =	ssyncset.done $0x0  }
0x6f: {  	[sflag:s8] =	ssyncadd.s32 $0xFFFFC000  }
0x70: {  	[spmem:s1] =	stream.indirect.scatter.add.f32 [tilespmem:s30], [sflag:$0x6], $0x80, s24, s25, $0xb8;
	[tilespmem:$0x1C380] =	vst v63  }
0x71: {  	_ =	swait.ge [sflag:s9], $0x4000  }
0x72: {  	s15 =	sshrl.u32 s13, $0x3;
	[sflag:s9] =	ssyncset.done $0x0  }
0x73: {  	s15 =	sadd.s32 s5, s15;
	[sflag:s9] =	ssyncadd.s32 $0xFFFFC000  }
0x74: {  	[tilespmem:s2], [sflag:$0x1] =	stream.linear.gather [hbm4b:s15+s2], $0x80, $0x38;
	[tilespmem:$0x1C380] =	vst v63  }
0x75: {  	s15 =	sadd.s32 s14, s22  }
0x76: {  	[tilespmem:s24], [sflag:$0x1] =	stream.linear.gather [hbm4b:s15+s2], $0x80, $0x38;
	[tilespmem:$0x1C380] =	vst v63  }
0x77: {  	_ =	swait.ge [sflag:s28], $0x80  }
0x78: {  	[sflag:s28] =	ssyncset.done $0x0  }
0x79: {  	[sflag:s28] =	ssyncadd.s32 $0xFFFFFF80  }
0x7a: {  	_ =	swait.ge [sflag:s28], $0x80  }
0x7b: {  	[sflag:s28] =	ssyncset.done $0x0  }
0x7c: {  	[sflag:s28] =	ssyncadd.s32 $0xFFFFFF80  }
0x7d: {  	[tilespmem:s30], [sflag:$0x3] =	stream.indirect.gather [hbm4b:s4+s29], $0x80, s2, s29, $0xb8;
	[tilespmem:$0x1C380] =	vst v63  }
0x7e: {  	_ = 	snop  }
0x7f: {  	[tilespmem:s31], [sflag:$0x3] =	stream.indirect.gather [hbm4b:s4+s29], $0x80, s29, s29, $0xb8;
	[tilespmem:$0x1C380] =	vst v63  }
0x80: {  	_ =	swait.ge [sflag:s11], $0x4000  }
0x81: {  	[sflag:s11] =	ssyncset.done $0x0  }
0x82: {  	[sflag:s11] =	ssyncadd.s32 $0xFFFFC000  }
0x83: {  	[spmem:s1] =	stream.indirect.scatter.add.f32 [tilespmem:s3], [sflag:$0x6], $0x80, s26, s25, $0xb8;
	[tilespmem:$0x1C380] =	vst v63  }
.Ltmp0:
0x84: {  	_ =	swait.ge [sflag:s9], $0x4000;
	(pc) =	sbr.rel @p1 .LBB2_2-.Ltmp0, $4  }
0x85: {  	[sflag:s9] =	ssyncset.done $0x0  }
0x86: {  	s15 =	sadd.s32 s14, s19;
	[sflag:s9] =	ssyncadd.s32 $0xFFFFC000  }
0x87: {  	[tilespmem:s25], [sflag:$0x2] =	stream.linear.gather [hbm4b:s15+s2], $0x80, $0x38;
	[tilespmem:$0x1C380] =	vst v63  }
0x88: {  	s13 =	sadd.s32 $0x100, s13;
	s14 =	sadd.s32 s14, s20  }
0x89: {  	[tilespmem:s26], [sflag:$0x2] =	stream.linear.gather [hbm4b:s14+s2], $0x80, $0x38;
	[tilespmem:$0x1C380] =	vst v63  }
0x8a: {  	_ =	swait.ge [sflag:s0], $0x80  }
0x8b: {  	[sflag:s0] =	ssyncset.done $0x0  }
0x8c: {  	[sflag:s0] =	ssyncadd.s32 $0xFFFFFF80  }
0x8d: {  	_ =	swait.ge [sflag:s0], $0x80  }
0x8e: {  	[sflag:s0] =	ssyncset.done $0x0  }
0x8f: {  	[sflag:s0] =	ssyncadd.s32 $0xFFFFFF80  }
0x90: {  	[tilespmem:s3], [sflag:$0x4] =	stream.indirect.gather [hbm4b:s4+s29], $0x80, s25, s29, $0xb8;
	[tilespmem:$0x1C380] =	vst v63  }
0x91: {  	_ = 	snop  }
0x92: {  	[tilespmem:s7], [sflag:$0x4] =	stream.indirect.gather [hbm4b:s4+s29], $0x80, s6, s29, $0xb8;
	[tilespmem:$0x1C380] =	vst v63  }
0x93: {  	_ =	swait.ge [sflag:s8], $0x4000  }
0x94: {  	[sflag:s8] =	ssyncset.done $0x0  }
0x95: {  	[sflag:s8] =	ssyncadd.s32 $0xFFFFC000  }
0x96: {  	[spmem:s1] =	stream.indirect.scatter.add.f32 [tilespmem:s30], [sflag:$0x6], $0x80, s24, s25, $0xb8;
	[tilespmem:$0x1C380] =	vst v63  }
0x97: {  	_ =	swait.ge [sflag:s9], $0x4000  }
0x98: {  	[sflag:s9] =	ssyncset.done $0x0  }
0x99: {  	[sflag:s9] =	ssyncadd.s32 $0xFFFFC000  }
0x9a: {  	_ =	swait.ge [sflag:s11], $0x4000  }
0x9b: {  	[sflag:s11] =	ssyncset.done $0x0  }
0x9c: {  	[sflag:s11] =	ssyncadd.s32 $0xFFFFC000  }
0x9d: {  	[spmem:s1] =	stream.indirect.scatter.add.f32 [tilespmem:s3], [sflag:$0x6], $0x80, s26, s25, $0xb8;
	[tilespmem:$0x1C380] =	vst v63  }
0x9e: {  	_ =	swait.ge [sflag:s9], $0x4000  }
0x9f: {  	[sflag:s9] =	ssyncset.done $0x0  }
0xa0: {  	s13 =	simm.s32 $0x8200;
	s12 =	rddreg [dreg:$0xc];
	[sflag:s9] =	ssyncadd.s32 $0xFFFFC000  }
0xa1: {  	[tilespmem:s13], [sflag:$0x6] =	stream.linear.gather [hbm4b:s12+s2], $0x10, $0x38;
	[tilespmem:$0x1C380] =	vst v63  }
0xa2: {  	_ =	swait.ge [sflag:s9], $0x10  }
0xa3: {  	[sflag:s9] =	ssyncset.done $0x0  }
0xa4: {  	s14 =	simm.s32 $0x8280;
	s15 =	rddreg [dreg:$0xd];
	[sflag:s9] =	ssyncadd.s32 $0xFFFFFFF0  }
0xa5: {  	[tilespmem:s14], [sflag:$0x6] =	stream.linear.gather [hbm4b:s15+s2], $0x10, $0x38;
	[tilespmem:$0x1C380] =	vst v63  }
0xa6: {  	_ =	swait.ge [sflag:s9], $0x10  }
0xa7: {  	[sflag:s9] =	ssyncset.done $0x0  }
0xa8: {  	s12 =	simm.s32 $0x10;
	s15 =	simm.s32 $0x8300;
	[sflag:s9] =	ssyncadd.s32 $0xFFFFFFF0  }
0xa9: {  	[tilespmem:s15], [sflag:$0x5] =	stream.indirect.gather [hbm4b:s4+s12], $0x80, s13, s12, $0xb8;
	[tilespmem:$0x1C380] =	vst v63  }
0xaa: {  	_ =	swait.ge [sflag:s16], $0x800  }
0xab: {  	[sflag:s16] =	ssyncset.done $0x0  }
0xac: {  	[sflag:s16] =	ssyncadd.s32 $0xFFFFF800  }
0xad: {  	[spmem:s1] =	stream.indirect.scatter.add.f32 [tilespmem:s15], [sflag:$0x6], $0x80, s14, s12, $0xb8;
	[tilespmem:$0x1C380] =	vst v63  }
0xae: {  	_ =	swait.ge [sflag:s9], $0x800  }
0xaf: {  	[sflag:s9] =	ssyncset.done $0x0  }
0xb0: {  	[sflag:s9] =	ssyncadd.s32 $0xFFFFF800  }
0xb1: {  	[bflag:$0x0] =	sbarrier.arrive $0xFFFF  }
0xb2: {  	s12 =	rddreg [dreg:$0xe]  }
0xb3: {  	[hbm:s12], [sflag:s23] =	dma.local @p0 [spmem:s18], $0x2700  }
0xb4: {  	s12 =	simm.s32 @p0 $0x6  }
0xb5: {  	_ =	swait.ge @p0 [sflag:s12], $0x2700  }
0xb6: {  	[sflag:s12] =	ssyncset.done @p0 $0x0  }
0xb7: {  	s13 =	rddreg [dreg:$0xf];
	[sflag:s12] =	ssyncadd.s32 @p0 $0xFFFFD900;
	s12 =	simm.s32 @!p0 $0x1FC6  }
0xb8: {  	[hbm:s13], [sflag:s12] =	dma.local @!p0 [spmem:s10], $0x2800  }
0xb9: {  	s10 =	simm.s32 @!p0 $0x6  }
0xba: {  	_ =	swait.ge @!p0 [sflag:s10], $0x2800  }
0xbb: {  	s17 =	sadd.s32 $0x1, s17;
	s18 =	rddreg [dreg:$0x10]  }
0xbc: {  	p1 =	sne.s32 s17, s18  }
.Ltmp1:
0xbd: {  	_ = 	snop;
	(pc) =	sbr.rel @p1 .LBB2_1-.Ltmp1, $3  }
0xbe: {  	_ =	sdelay $0x1  }
0xbf: {  	[sflag:s10] =	ssyncset.done @!p0 $0x0  }
0xc0: {  	[sflag:s10] =	ssyncadd.s32 @!p0 $0xFFFFD800  }
0xc1: {  	_ =	sfence.sel $0x180000  }
0xc2: {  	[bflag:$0x0] =	sbarrier.arrive $0xFFFF  }
0xc3: {  	_ =	strace $0x9000004A  }
0xc4: {  	s0 =	stileid.u32;
	[bflag:$0x2] =	sbarrier.arrive $0xFFFF  }
0xc5: {  	p0 =	sne.s32 s0, $0x0;
	s0 =	rddreg [dreg:$0x3]  }
0xc6: {  	s0 =	sadd.s32 @!p0 $0x100000, s0  }
0xc7: {  	[sflag:s0] =	ssyncadd.tile.s32 @!p0 $0x1;
	_ =	shalt  }
.Lfunc_end2:
_tile_overlayer_lowered:
.L_overlay_start_2:
0xc8: {  	(tag) =	ssettag $0x2  }
0xc9: {  	s0 =	rddreg [dreg:$0x0];
	s2 =	stileid.u32  }
0xca: {  	s1 =	rddreg [dreg:$0x1];
	p0 =	sne.s32 s2, $0x0  }
0xcb: {  	s3 =	rddreg [dreg:$0x2];
	[bflag:$0x3] =	sbarrier.arrive $0xFFFF;
	s2 =	simm.s32 @!p0 $0x1C06  }
0xcc: {  	[timem:s3], [sflag:s2] =	dma.local @!p0 [hbm:s0], s1  }
0xcd: {  	s0 =	simm.s32 @!p0 $0x6  }
0xce: {  	_ =	swait.ge @!p0 [sflag:s0], s1  }
0xcf: {  	s1 =	ssub.s32 @!p0 $0x0, s1;
	[sflag:s0] =	ssyncset.done @!p0 $0x0  }
0xd0: {  	[sflag:s0] =	ssyncadd.s32 @!p0 s1  }
0xd1: {  	[bflag:$0x3] =	sbarrier.arrive $0xFFFF  }
0xd2: {  	_ =	shalt  }

// kernel: kernel.8.cloned.1.call-start
scs
__scs_entry_jumppad:
0x0: {  	(pc) =	sbr.rel $0x88, $3  }
0x1: {  	(tag) =	ssettag $0x0;
	lr =	simm.s32 $0x1  }
0x2: {  	[smem:$0x3F99] =	sst lr;
	_ =	strace $0xD0000000  }
0x3: {  	_ = 	snop  }
0x4: {  	_ = 	snop  }
0x5: {  	_ = 	snop  }
0x6: {  	_ = 	snop  }
0x7: {  	_ = 	snop  }
__scs_overlays_trampoline_lowered:
0x8: {  	[smem:$0x3FA8] =	sst s0  }
0x9: {  	[smem:$0x3FA9] =	sst s1  }
0xa: {  	[smem:$0x3FAA] =	sst s2  }
0xb: {  	[smem:$0x3FAB] =	sst s3  }
0xc: {  	[smem:$0x3FAC] =	sst s4  }
0xd: {  	[smem:$0x3FAD] =	sst s5  }
0xe: {  	[smem:$0x3FAE] =	sst s6  }
0xf: {  	[smem:$0x3FAF] =	sst s7  }
0x10: {  	[smem:$0x3FB0] =	sst s8  }
0x11: {  	[smem:$0x3FB1] =	sst s9;
	s0 =	simm.s32 @!p0 $0x0  }
0x12: {  	s1 =	sld [smem:$0x3F97];
	s0 =	simm.s32 @p0 $0x1  }
0x13: {  	[smem:$0x3FB2] =	sst s0;
	s0 =	simm.s32 @!p1 $0x0  }
0x14: {  	s2 =	sld [smem:$0x3F96];
	s0 =	simm.s32 @p1 $0x1  }
0x15: {  	[smem:$0x3FB3] =	sst s0;
	s0 =	simm.s32 @!p2 $0x0  }
0x16: {  	s3 =	sld [smem:$0x3FDB];
	s0 =	simm.s32 @p2 $0x1  }
0x17: {  	s4 =	simm.s32 $0x1BF5;
	[smem:$0x3FB5] =	sst s0  }
0x18: {  	s0 =	sld [smem:$0x3F98];
	_ =	swait.ge [sflag:s4], $0x0  }
0x19: {  	s7 =	sld [smem:$0x3F99]  }
0x1a: {  	s8 =	sadd.s32 $0xFFFFE003, lr  }
0x1b: {  	s9 =	sadd.s32 $0xFFFFFEF7, lr;
	s5 =	simm.s32 $0xFFFFFFFF;
	p2 =	slt.u32 s8, $0xFFFFF086  }
0x1c: {  	p1 =	slt.u32 s9, $0xF7A;
	s5 =	simm.s32 @!p2 $0x0  }
0x1d: {  	s5 =	simm.s32 @p1 $0x1;
	p0 =	seq.s32 s7, s2  }
0x1e: {  	s7 =	smul.u32 @!p0 $0xF7A, s2;
	p2 =	seq.s32 @!p0 s5, $0x0  }
0x1f: {  	s9 =	smul.u32 $0xF7A, s1;
	s8 =	simm.s32 @!p0 $0x1BF5;
	p2 =	por !p2, p0  }
0x20: {  	[sflag:s8] =	ssyncset.s32 @!p0 $0xFFFFF086;
	s6 =	sadd.s32 @!p0 s3, s7;
	s7 =	simm.s32 @!p0 $0x108  }
0x21: {  	s3 =	sadd.s32 s3, s9;
	s6 =	sadd.s32 @!p0 $0x88, s6;
	s7 =	simm.s32 @p2 $0x1082  }
0x22: {  	[simem:s7], [sflag:s8] =	dma.local @!p0 [hbm:s6], $0xF7A  }
0x23: {  	s9 =	sor.u32 $0xD0000000, s2;
	s6 =	simm.s32 $0x108;
	_ =	swait.ge @!p0 [sflag:s8], $0x0  }
0x24: {  	s3 =	sadd.s32 $0x88, s3;
	s6 =	simm.s32 @!p1 $0x1082;
	[sflag:s4] =	ssyncset.s32 $0xFFFFF086  }
0x25: {  	[simem:s6], [sflag:s4] =	dma.local [hbm:s3], $0xF7A  }
0x26: {  	[smem:$0x3F99] =	sst s1;
	(tag) =	ssettag s2;
	_ =	strace s9  }
0x27: {  	s1 =	sld [smem:$0x3FA9]  }
0x28: {  	s2 =	sld [smem:$0x3FAA]  }
0x29: {  	s4 =	sld [smem:$0x3FAC]  }
0x2a: {  	p0 =	seq.s32 s5, $0x0;
	s5 =	sld [smem:$0x3FAD]  }
0x2b: {  	s6 =	sld [smem:$0x3FAE]  }
0x2c: {  	s7 =	sld [smem:$0x3FAF]  }
0x2d: {  	s3 =	simm.s32 $0x108;
	s8 =	sld [smem:$0x3FB0]  }
0x2e: {  	s3 =	simm.s32 @!p0 $0x1082;
	s9 =	sld [smem:$0x3FB1]  }
0x2f: {  	lr =	sadd.s32 s0, s3;
	s0 =	sld [smem:$0x3FA8]  }
0x30: {  	s3 =	sld [smem:$0x3FAB]  }
0x31: {  	[smem:$0x3FB4] =	sst s10  }
0x32: {  	s10 =	sld [smem:$0x3FB2];
	_ =	sdelay $0x3  }
0x33: {  	p0 =	seq.s32 s10, $0x1;
	s10 =	sld [smem:$0x3FB4];
	_ =	sdelay $0x3  }
0x34: {  	[smem:$0x3FB4] =	sst s10  }
0x35: {  	s10 =	sld [smem:$0x3FB3];
	_ =	sdelay $0x3  }
0x36: {  	p1 =	seq.s32 s10, $0x1;
	s10 =	sld [smem:$0x3FB4];
	_ =	sdelay $0x3  }
0x37: {  	[smem:$0x3FB4] =	sst s10  }
0x38: {  	s10 =	sld [smem:$0x3FB5]  }
0x39: {  	_ = 	snop;
	(pc) =	sbr.ind lr, $3  }
0x3a: {  	_ = 	snop  }
0x3b: {  	_ = 	snop  }
0x3c: {  	p2 =	seq.s32 s10, $0x1;
	s10 =	sld [smem:$0x3FB4]  }
0x3d: {  	_ =	shalt  }
0x3e: {  	_ =	shalt  }
0x3f: {  	_ =	shalt  }
0x40: {  	_ =	shalt  }
0x41: {  	_ =	shalt  }
0x42: {  	_ =	shalt  }
0x43: {  	_ =	shalt  }
0x44: {  	_ =	shalt  }
0x45: {  	_ =	shalt  }
0x46: {  	_ =	shalt  }
0x47: {  	_ =	shalt  }
0x48: {  	_ =	shalt  }
0x49: {  	_ =	shalt  }
0x4a: {  	_ =	shalt  }
0x4b: {  	_ =	shalt  }
0x4c: {  	_ =	shalt  }
0x4d: {  	_ =	shalt  }
0x4e: {  	_ =	shalt  }
0x4f: {  	_ =	shalt  }
0x50: {  	_ =	shalt  }
0x51: {  	_ =	shalt  }
0x52: {  	_ =	shalt  }
0x53: {  	_ =	shalt  }
0x54: {  	_ =	shalt  }
0x55: {  	_ =	shalt  }
0x56: {  	_ =	shalt  }
0x57: {  	_ =	shalt  }
0x58: {  	_ =	shalt  }
0x59: {  	_ =	shalt  }
0x5a: {  	_ =	shalt  }
0x5b: {  	_ =	shalt  }
0x5c: {  	_ =	shalt  }
0x5d: {  	_ =	shalt  }
0x5e: {  	_ =	shalt  }
0x5f: {  	_ =	shalt  }
0x60: {  	_ =	shalt  }
0x61: {  	_ =	shalt  }
0x62: {  	_ =	shalt  }
0x63: {  	_ =	shalt  }
0x64: {  	_ =	shalt  }
0x65: {  	_ =	shalt  }
0x66: {  	_ =	shalt  }
0x67: {  	_ =	shalt  }
0x68: {  	_ =	shalt  }
0x69: {  	_ =	shalt  }
0x6a: {  	_ =	shalt  }
0x6b: {  	_ =	shalt  }
0x6c: {  	_ =	shalt  }
0x6d: {  	_ =	shalt  }
0x6e: {  	_ =	shalt  }
0x6f: {  	_ =	shalt  }
0x70: {  	_ =	shalt  }
0x71: {  	_ =	shalt  }
0x72: {  	_ =	shalt  }
0x73: {  	_ =	shalt  }
0x74: {  	_ =	shalt  }
0x75: {  	_ =	shalt  }
0x76: {  	_ =	shalt  }
0x77: {  	_ =	shalt  }
0x78: {  	_ =	shalt  }
0x79: {  	_ =	shalt  }
0x7a: {  	_ =	shalt  }
0x7b: {  	_ =	shalt  }
0x7c: {  	_ =	shalt  }
0x7d: {  	_ =	shalt  }
0x7e: {  	_ =	shalt  }
0x7f: {  	_ =	shalt  }
0x80: {  	_ =	shalt  }
0x81: {  	_ =	shalt  }
0x82: {  	_ =	shalt  }
0x83: {  	_ =	shalt  }
0x84: {  	_ =	shalt  }
0x85: {  	_ =	shalt  }
0x86: {  	_ =	shalt  }
0x87: {  	_ =	shalt  }
.Lfunc_end0:
.L_simem_size_0:
called_computation_lowered:
.L_overlay_start_0:
0x88: {  	s2 =	sld [smem:$0x3FD9]  }
0x89: {  	s3 =	sld [smem:$0x3FFE];
	_ =	sdelay $0x1  }
0x8a: {  	s1 =	srdreg.scid  }
0x8b: {  	s0 =	sand.u32 $0x1, s1  }
0x8c: {  	s17 =	sshll.u32 s0, $0xA;
	s2 =	sadd.s32 s3, s2  }
0x8d: {  	s2 =	sadd.s32 s2, s17  }
0x8e: {  	[smem:$0x3FC0] =	sst s2  }
0x8f: {  	_ = 	snop  }
0x90: {  	s2 =	sld [smem:$0x3FC9]  }
0x91: {  	s18 =	sld [smem:$0x3FD0];
	(tm) =	ssettm $0x1  }
0x92: {  	s4 =	sld [smem:$0x3FFB];
	_ =	sdelay $0x3  }
0x93: {  	_ =	strace s4  }
0x94: {  	s4 =	sld [smem:$0x3FFC];
	_ =	sdelay $0x3  }
0x95: {  	_ =	strace s4  }
0x96: {  	s4 =	sld [smem:$0x3FFD];
	_ =	sdelay $0x3  }
0x97: {  	_ =	strace s4  }
0x98: {  	_ =	strace $0x8FFFFFFF  }
0x99: {  	s19 =	sld [smem:$0x3FDB];
	_ =	sdelay $0x1  }
0x9a: {  	s5 =	simm.s32 $_scs_section_size  }
0x9b: {  	s6 =	simm.s32 $_size__tile_overlayer_lowered;
	s7 =	simm.s32 $_tile_overlayer_lowered  }
0x9c: {  	s22 =	simm.s32 $0x1BFF;
	s21 =	sshll.u32 s7, $0x1;
	s4 =	sadd.s32 s5, s19  }
0x9d: {  	s8 =	simm.s32 $0x0;
	s20 =	sshll.u32 s6, $0x1;
	s6 =	sadd.s32 s21, s4  }
0x9e: {  	[timem:s8], [sflag:s22] =	dma.local [hbm:s6], s20  }
0x9f: {  	_ =	swait.ge [sflag:s22], s20  }
0xa0: {  	s5 =	ssub.s32 $0x0, s20;
	[sflag:s22] =	ssyncset.done $0x0  }
0xa1: {  	[sflag:s22] =	ssyncadd.s32 s5;
	_ =	sdelay $0x1  }
0xa2: {  	s23 =	simm.s32 $0x1B8B  }
0xa3: {  	_ =	swait.ge [sflag:s23], $0x1  }
0xa4: {  	[sflag:s23] =	ssyncset.done $0x0  }
0xa5: {  	s25 =	simm.s32 $0x1B8E;
	s24 =	sld [smem:$0x3FFE];
	[sflag:s23] =	ssyncadd.s32 $0xFFFFFFFF  }
0xa6: {  	s26 =	simm.s32 $execute0_lowered;
	[smem:$0x3FD2] =	sst s25  }
0xa7: {  	s6 =	sshll.u32 s26, $0x1;
	_ =	strace $0x80000046;
	[dreg:$0x1] =	wrdreg $0xFFFFFFFF  }
0xa8: {  	s28 =	simm.s32 $_size_execute0_lowered;
	s4 =	sadd.s32 s4, s6;
	[dreg:$0x0] =	wrdreg $0x0  }
0xa9: {  	s6 =	sshll.u32 s28, $0x1;
	[dreg:$0x2] =	wrdreg s4  }
0xaa: {  	[dreg:$0x3] =	wrdreg s6  }
0xab: {  	[dreg:$0x4] =	wrdreg $0xC0  }
0xac: {  	_ =	task [dreg:s8], $0x5FFFF  }
0xad: {  	[dreg:$0x1] =	wrdreg $0xFFFFFFFF  }
0xae: {  	[dreg:$0x0] =	wrdreg $0x60  }
0xaf: {  	[dreg:$0x2] =	wrdreg s2  }
0xb0: {  	[dreg:$0x3] =	wrdreg s24  }
0xb1: {  	[dreg:$0x4] =	wrdreg s18  }
0xb2: {  	[dreg:$0x5] =	wrdreg $0x8B000  }
0xb3: {  	[dreg:$0x6] =	wrdreg $0x9  }
0xb4: {  	_ =	task.clear_ibuf [dreg:s8], $0x7FFFF;
	_ =	strace $0x90000046  }
0xb5: {  	s29 =	simm.s32 $0x9;
	_ =	strace $0x80000048  }
0xb6: {  	_ =	swait.ge [sflag:s29], $0x1  }
0xb7: {  	[sflag:s29] =	ssyncadd.s32 $0xFFFFFFFF  }
0xb8: {  	_ =	strace $0x90000048  }
0xb9: {  	_ =	sfence  }
0xba: {  	s30 =	sld [smem:$0x0];
	_ =	sdelay $0x2  }
0xbb: {  	s31 =	sshll.u32 s1, $0xD;
	s1 =	sshrl.u32 s1, $0x2  }
0xbc: {  	s3 =	sand.u32 $0x4000, s31;
	s1 =	sadd.s32 s1, s30  }
0xbd: {  	s0 =	sor.u32 s3, s0;
	s1 =	sshll.u32 s1, $0x11  }
0xbe: {  	s0 =	sor.u32 s1, s0  }
0xbf: {  	s0 =	sadd.s32 $0x8F2B, s0  }
0xc0: {  	[sflag:s0] =	ssyncadd.remote.s32 $0x1  }
0xc1: {  	_ =	sfence.sel $0xFFFF  }
0xc2: {  	[dreg:$0x0] =	wrdreg $0xFFFFFFFF;
	(pc) =	sbr.abs _section_cstart, $3  }
0xc3: {  	[dreg:$0x1] =	wrdreg $0xFFFFFFFF  }
0xc4: {  	_ =	task.clear_ibuf [dreg:s8], $0x2FFFF;
	_ =	strace $0x9FFFFFFF  }
0xc5: {  	(tm) =	ssettm $0x7FFFFFFF  }
tec
execute0_lowered:
.L_overlay_start_1:
0x0: {  	(tag) =	ssettag $0x1  }
0x1: {  	s1 =	rddreg [dreg:$0x0]  }
0x2: {  	s0 =	rddreg [dreg:$0x1]  }
0x3: {  	s2 =	rddreg [dreg:$0x2]  }
0x4: {  	s3 =	rddreg [dreg:$0x3];
	s5 =	srdreg.scid  }
0x5: {  	s13 =	stileid.u32;
	s4 =	simm.s32 $0x0;
	s28 =	simm.s32 $0x100  }
0x6: {  	s29 =	simm.s32 $0x80;
	s30 =	simm.s32 $0x180;
	s31 =	simm.s32 $0x1  }
0x7: {  	s6 =	sand.u32 $0x1, s5;
	s25 =	sshll.u32 s13, $0x1;
	s26 =	smul.u32 $0x4E000, s13  }
0x8: {  	[smem:$0x7FF] =	sst s4;
	s8 =	sadd.s32 $0x16000, s0;
	s12 =	smul.u32 $0x2700, s13  }
0x9: {  	s9 =	sadd.s32 $0x20400, s0;
	s14 =	sadd.s32 $0x124800, s3;
	s17 =	smul.u32 $0x13800, s13  }
0xa: {  	s21 =	smul.u32 $0x4E20, s13;
	p0 =	sne.s32 s13, $0xF;
	s13 =	simm.s32 $0x4  }
0xb: {  	s5 =	sor.u32 s6, s25;
	_ =	strace $0x80000047;
	s15 =	smul.u32 $0x138800, s6  }
0xc: {  	[dreg:$0x5] =	wrdreg s8;
	s10 =	ssub.s32 $0x2, s6;
	s6 =	smul.u32 $0x2710, s6  }
0xd: {  	[dreg:$0x8] =	wrdreg s14;
	s7 =	smul.u32 $0x2710, s5;
	s5 =	sadd.s32 $0x2600, s0  }
0xe: {  	s11 =	sshrl.u32 s10, $0x1;
	s8 =	sshrl.u32 s26, $0x2;
	s12 =	sadd.s32 s2, s12  }
0xf: {  	s2 =	sadd.s32 $0x24900, s2;
	s10 =	ssub.s32 s10, s11;
	[dreg:$0x7] =	wrdreg s12  }
0x10: {  	s8 =	sadd.s32 s8, s3;
	[dreg:$0x9] =	wrdreg s2;
	s2 =	sadd.s32 s17, s15  }
0x11: {  	s23 =	sadd.s32 s6, s21;
	s12 =	simm.s32 $0x3;
	s17 =	simm.s32 $0x8300  }
0x12: {  	s7 =	sshrl.u32 s7, $0x3;
	[dreg:$0x6] =	wrdreg s8;
	s2 =	sshrl.u32 s2, $0x3  }
0x13: {  	s8 =	sshrl.u32 s15, $0x3;
	s24 =	smax.u32 s10, $0x1;
	s25 =	sadd.s32 $0x180, s23  }
0x14: {  	s6 =	sadd.s32 $0x4E380, s23;
	s16 =	sadd.s32 s5, s7;
	[dreg:$0x13] =	wrdreg s24  }
0x15: {  	s10 =	simm.s32 $0x6200;
	s2 =	sadd.s32 s9, s2;
	[dreg:$0xa] =	wrdreg s16  }
0x16: {  	s0 =	sadd.s32 s7, s0;
	s7 =	sadd.s32 $0x9C40, s16;
	[dreg:$0x10] =	wrdreg s2  }
0x17: {  	s22 =	sadd.s32 s9, s8;
	s18 =	sadd.s32 $0x10, s16;
	[dreg:$0xb] =	wrdreg s7  }
0x18: {  	s6 =	sshrl.u32 s6, $0x3;
	s19 =	sadd.s32 $0x9C50, s16;
	[dreg:$0xc] =	wrdreg s18  }
0x19: {  	s8 =	simm.s32 $0x4200;
	s20 =	sadd.s32 $0x4E0, s16;
	[dreg:$0xd] =	wrdreg s19  }
0x1a: {  	s9 =	simm.s32 $0xC0;
	s11 =	sadd.s32 $0xA120, s16;
	[dreg:$0xe] =	wrdreg s20  }
0x1b: {  	s2 =	sadd.s32 $0x24900, s22;
	s0 =	sadd.s32 $0x16600, s0;
	[dreg:$0xf] =	wrdreg s11  }
0x1c: {  	s22 =	sadd.s32 s6, s5;
	s6 =	simm.s32 $0x2200;
	[dreg:$0x11] =	wrdreg s2  }
0x1d: {  	[dreg:$0x12] =	wrdreg s0;
	s2 =	sshrl.u32 s25, $0x3;
	s7 =	sadd.s32 $0x4E300, s23  }
0x1e: {  	s0 =	sadd.s32 $0x100, s23;
	s25 =	simm.s32 $0x1C380;
	s18 =	simm.s32 $0x5  }
0x1f: {  	s19 =	simm.s32 $0x0;
	s21 =	sadd.s32 s2, s5;
	s26 =	sshrl.u32 s7, $0x3  }
0x20: {  	[dreg:$0x14] =	wrdreg s0;
	s0 =	simm.s32 $0x40;
	s2 =	simm.s32 $0x200  }
0x21: {  	v0 =	vimm.f32 $1.000000000e+00;
	s7 =	simm.s32 $0x2;
	s24 =	sadd.s32 s26, s5;
	s26 =	simm.s32 $0x6  }
.LBB2_1:
0x22: {  	s11 =	stileid.u32  }
0x23: {  	s11 =	sshll.u32 @p0 s11, $0x6  }
0x24: {  	s20 =	sor.u32 @p0 $0x1C06, s11;
	s11 =	rddreg [dreg:$0x6]  }
0x25: {  	s23 =	sshrl.u32 @p0 s11, $0x3;
	s11 =	rddreg [dreg:$0x7]  }
0x26: {  	[spmem:s23], [sflag:s20] =	dma.local @p0 [hbm:s11], $0x2700  }
0x27: {  	s11 =	simm.s32 @p0 $0x6  }
0x28: {  	_ =	swait.ge @p0 [sflag:s11], $0x2700  }
0x29: {  	[sflag:s11] =	ssyncset.done @p0 $0x0  }
0x2a: {  	[sflag:s11] =	ssyncadd.s32 @p0 $0xFFFFD900;
	s11 =	rddreg [dreg:$0x8]  }
0x2b: {  	s14 =	simm.s32 @!p0 $0x1FC6;
	s15 =	rddreg [dreg:$0x9];
	s11 =	sshrl.u32 @!p0 s11, $0x3  }
0x2c: {  	[spmem:s11], [sflag:s14] =	dma.local @!p0 [hbm:s15], $0x2800  }
0x2d: {  	s14 =	simm.s32 @!p0 $0x6  }
0x2e: {  	_ =	swait.ge @!p0 [sflag:s14], $0x2800  }
0x2f: {  	[sflag:s14] =	ssyncset.done @!p0 $0x0  }
0x30: {  	s16 =	rddreg [dreg:$0x5];
	[sflag:s14] =	ssyncadd.s32 @!p0 $0xFFFFD800  }
0x31: {  	[tilespmem:s25], [sflag:$0x6] =	stream.linear.gather [hbm4b:s16+s4], $0x2780, $0x38;
	[tilespmem:$0x1EB00] =	vst v63  }
0x32: {  	_ =	swait.ge [sflag:s26], $0x2780  }
0x33: {  	[sflag:s26] =	ssyncset.done $0x0  }
0x34: {  	[sflag:s26] =	ssyncadd.s32 $0xFFFFD880  }
0x35: {  	[bflag:$0x0] =	sbarrier.arrive $0xFFFF  }
0x36: {  	s15 =	rddreg [dreg:$0xa]  }
0x37: {  	[tilespmem:s4], [sflag:$0x1] =	stream.linear.gather [hbm4b:s15+s4], $0x80, $0x38;
	[tilespmem:$0x1EB00] =	vst v63  }
0x38: {  	s16 =	rddreg [dreg:$0xb]  }
0x39: {  	[tilespmem:s28], [sflag:$0x1] =	stream.linear.gather [hbm4b:s16+s4], $0x80, $0x38;
	[tilespmem:$0x1EB00] =	vst v63  }
0x3a: {  	s15 =	rddreg [dreg:$0xc]  }
0x3b: {  	[tilespmem:s29], [sflag:$0x2] =	stream.linear.gather [hbm4b:s15+s4], $0x80, $0x38;
	[tilespmem:$0x1EB00] =	vst v63  }
0x3c: {  	s16 =	rddreg [dreg:$0xd]  }
0x3d: {  	[tilespmem:s30], [sflag:$0x2] =	stream.linear.gather [hbm4b:s16+s4], $0x80, $0x38;
	[tilespmem:$0x1EB00] =	vst v63  }
0x3e: {  	_ =	swait.ge [sflag:s31], $0x80  }
0x3f: {  	[sflag:s31] =	ssyncset.done $0x0  }
0x40: {  	[sflag:s31] =	ssyncadd.s32 $0xFFFFFF80  }
0x41: {  	_ =	swait.ge [sflag:s31], $0x80  }
0x42: {  	[sflag:s31] =	ssyncset.done $0x0  }
0x43: {  	[sflag:s31] =	ssyncadd.s32 $0xFFFFFF80  }
0x44: {  	[tilespmem:s2], [sflag:$0x3] =	stream.indirect.gather [hbm4b:s1+s0], $0x80, s4, s0, $0xb8;
	[tilespmem:$0x1EB00] =	vst v63  }
0x45: {  	s15 =	simm.s32 $0x0;
	s14 =	rddreg [dreg:$0x14]  }
0x46: {  	[tilespmem:s6], [sflag:$0x3] =	stream.indirect.gather [hbm4b:s1+s0], $0x80, s0, s0, $0xb8;
	[tilespmem:$0x1EB00] =	vst v63  }
.LBB2_2:
0x47: {  	_ =	swait.ge [sflag:s7], $0x80  }
0x48: {  	[sflag:s7] =	ssyncset.done $0x0  }
0x49: {  	[sflag:s7] =	ssyncadd.s32 $0xFFFFFF80  }
0x4a: {  	_ =	swait.ge [sflag:s7], $0x80  }
0x4b: {  	[sflag:s7] =	ssyncset.done $0x0  }
0x4c: {  	[sflag:s7] =	ssyncadd.s32 $0xFFFFFF80  }
0x4d: {  	[tilespmem:s8], [sflag:$0x4] =	stream.indirect.gather [hbm4b:s1+s0], $0x80, s29, s0, $0xb8;
	[tilespmem:$0x1EB00] =	vst v63  }
0x4e: {  	_ = 	snop  }
0x4f: {  	[tilespmem:s10], [sflag:$0x4] =	stream.indirect.gather [hbm4b:s1+s0], $0x80, s9, s0, $0xb8;
	[tilespmem:$0x1EB00] =	vst v63  }
0x50: {  	v1 =	vld [tilespmem:$0x100];
	_ =	sdelay $0x7  }
0x51: {  	[tilespmem:v1+s25+$0x0] =	vst.idx.add.f32.msk $0xffff, v0  }
0x52: {  	v1 =	vld [tilespmem:$0x110];
	_ =	sdelay $0x7  }
0x53: {  	[tilespmem:v1+s25+$0x0] =	vst.idx.add.f32.msk $0xffff, v0  }
0x54: {  	v1 =	vld [tilespmem:$0x120];
	_ =	sdelay $0x7  }
0x55: {  	[tilespmem:v1+s25+$0x0] =	vst.idx.add.f32.msk $0xffff, v0  }
0x56: {  	v1 =	vld [tilespmem:$0x130];
	_ =	sdelay $0x7  }
0x57: {  	[tilespmem:v1+s25+$0x0] =	vst.idx.add.f32.msk $0xffff, v0  }
0x58: {  	v1 =	vld [tilespmem:$0x140];
	_ =	sdelay $0x7  }
0x59: {  	[tilespmem:v1+s25+$0x0] =	vst.idx.add.f32.msk $0xffff, v0  }
0x5a: {  	v1 =	vld [tilespmem:$0x150];
	_ =	sdelay $0x7  }
0x5b: {  	[tilespmem:v1+s25+$0x0] =	vst.idx.add.f32.msk $0xffff, v0  }
0x5c: {  	v1 =	vld [tilespmem:$0x160];
	_ =	sdelay $0x7  }
0x5d: {  	[tilespmem:v1+s25+$0x0] =	vst.idx.add.f32.msk $0xffff, v0  }
0x5e: {  	v1 =	vld [tilespmem:$0x170];
	_ =	sdelay $0x7  }
0x5f: {  	[tilespmem:v1+s25+$0x0] =	vst.idx.add.f32.msk $0xffff, v0  }
0x60: {  	_ =	swait.ge [sflag:s12], $0x4000  }
0x61: {  	[sflag:s12] =	ssyncset.done $0x0  }
0x62: {  	[sflag:s12] =	ssyncadd.s32 $0xFFFFC000  }
0x63: {  	[spmem:s3] =	stream.indirect.scatter.add.f32 [tilespmem:s2], [sflag:$0x6], $0x80, s28, s29, $0xb8;
	[tilespmem:$0x1EB00] =	vst v63  }
0x64: {  	_ =	swait.ge [sflag:s26], $0x4000  }
0x65: {  	s16 =	sshrl.u32 s14, $0x3;
	[sflag:s26] =	ssyncset.done $0x0  }
0x66: {  	s16 =	sadd.s32 s5, s16;
	[sflag:s26] =	ssyncadd.s32 $0xFFFFC000  }
0x67: {  	[tilespmem:s4], [sflag:$0x1] =	stream.linear.gather [hbm4b:s16+s4], $0x80, $0x38;
	[tilespmem:$0x1EB00] =	vst v63  }
0x68: {  	s16 =	sadd.s32 s15, s24  }
0x69: {  	[tilespmem:s28], [sflag:$0x1] =	stream.linear.gather [hbm4b:s16+s4], $0x80, $0x38;
	[tilespmem:$0x1EB00] =	vst v63  }
0x6a: {  	_ =	swait.ge [sflag:s31], $0x80  }
0x6b: {  	[sflag:s31] =	ssyncset.done $0x0  }
0x6c: {  	[sflag:s31] =	ssyncadd.s32 $0xFFFFFF80  }
0x6d: {  	_ =	swait.ge [sflag:s31], $0x80  }
0x6e: {  	[sflag:s31] =	ssyncset.done $0x0  }
0x6f: {  	[sflag:s31] =	ssyncadd.s32 $0xFFFFFF80  }
0x70: {  	[tilespmem:s2], [sflag:$0x3] =	stream.indirect.gather [hbm4b:s1+s0], $0x80, s4, s0, $0xb8;
	[tilespmem:$0x1EB00] =	vst v63  }
0x71: {  	_ = 	snop  }
0x72: {  	[tilespmem:s6], [sflag:$0x3] =	stream.indirect.gather [hbm4b:s1+s0], $0x80, s0, s0, $0xb8;
	[tilespmem:$0x1EB00] =	vst v63  }
0x73: {  	v1 =	vld [tilespmem:$0x180];
	_ =	sdelay $0x7  }
0x74: {  	[tilespmem:v1+s25+$0x0] =	vst.idx.add.f32.msk $0xffff, v0  }
0x75: {  	v1 =	vld [tilespmem:$0x190];
	_ =	sdelay $0x7  }
0x76: {  	[tilespmem:v1+s25+$0x0] =	vst.idx.add.f32.msk $0xffff, v0  }
0x77: {  	v1 =	vld [tilespmem:$0x1A0];
	_ =	sdelay $0x7  }
0x78: {  	[tilespmem:v1+s25+$0x0] =	vst.idx.add.f32.msk $0xffff, v0  }
0x79: {  	v1 =	vld [tilespmem:$0x1B0];
	_ =	sdelay $0x7  }
0x7a: {  	[tilespmem:v1+s25+$0x0] =	vst.idx.add.f32.msk $0xffff, v0  }
0x7b: {  	v1 =	vld [tilespmem:$0x1C0];
	_ =	sdelay $0x7  }
0x7c: {  	[tilespmem:v1+s25+$0x0] =	vst.idx.add.f32.msk $0xffff, v0  }
0x7d: {  	v1 =	vld [tilespmem:$0x1D0];
	_ =	sdelay $0x7  }
0x7e: {  	[tilespmem:v1+s25+$0x0] =	vst.idx.add.f32.msk $0xffff, v0  }
0x7f: {  	v1 =	vld [tilespmem:$0x1E0];
	_ =	sdelay $0x7  }
0x80: {  	[tilespmem:v1+s25+$0x0] =	vst.idx.add.f32.msk $0xffff, v0  }
0x81: {  	v1 =	vld [tilespmem:$0x1F0];
	_ =	sdelay $0x7  }
0x82: {  	[tilespmem:v1+s25+$0x0] =	vst.idx.add.f32.msk $0xffff, v0  }
0x83: {  	_ =	swait.ge [sflag:s13], $0x4000  }
0x84: {  	[sflag:s13] =	ssyncset.done $0x0  }
0x85: {  	[sflag:s13] =	ssyncadd.s32 $0xFFFFC000  }
0x86: {  	[spmem:s3] =	stream.indirect.scatter.add.f32 [tilespmem:s8], [sflag:$0x6], $0x80, s30, s29, $0xb8;
	[tilespmem:$0x1EB00] =	vst v63  }
0x87: {  	p1 =	sne.s32 s15, $0x4A0;
	_ =	swait.ge [sflag:s26], $0x4000  }
.Ltmp0:
0x88: {  	[sflag:s26] =	ssyncset.done $0x0;
	(pc) =	sbr.rel @p1 .LBB2_2-.Ltmp0, $4  }
0x89: {  	s16 =	sadd.s32 s15, s21;
	[sflag:s26] =	ssyncadd.s32 $0xFFFFC000  }
0x8a: {  	[tilespmem:s29], [sflag:$0x2] =	stream.linear.gather [hbm4b:s16+s4], $0x80, $0x38;
	[tilespmem:$0x1EB00] =	vst v63  }
0x8b: {  	s14 =	sadd.s32 $0x100, s14;
	s16 =	sadd.s32 s15, s22;
	s15 =	sadd.s32 $0x20, s15  }
0x8c: {  	[tilespmem:s30], [sflag:$0x2] =	stream.linear.gather [hbm4b:s16+s4], $0x80, $0x38;
	[tilespmem:$0x1EB00] =	vst v63  }
0x8d: {  	_ =	swait.ge [sflag:s7], $0x80  }
0x8e: {  	[sflag:s7] =	ssyncset.done $0x0  }
0x8f: {  	[sflag:s7] =	ssyncadd.s32 $0xFFFFFF80  }
0x90: {  	_ =	swait.ge [sflag:s7], $0x80  }
0x91: {  	[sflag:s7] =	ssyncset.done $0x0  }
0x92: {  	[sflag:s7] =	ssyncadd.s32 $0xFFFFFF80  }
0x93: {  	[tilespmem:s8], [sflag:$0x4] =	stream.indirect.gather [hbm4b:s1+s0], $0x80, s29, s0, $0xb8;
	[tilespmem:$0x1EB00] =	vst v63  }
0x94: {  	_ = 	snop  }
0x95: {  	[tilespmem:s10], [sflag:$0x4] =	stream.indirect.gather [hbm4b:s1+s0], $0x80, s9, s0, $0xb8;
	[tilespmem:$0x1EB00] =	vst v63  }
0x96: {  	v1 =	vld [tilespmem:$0x100];
	_ =	sdelay $0x7  }
0x97: {  	[tilespmem:v1+s25+$0x0] =	vst.idx.add.f32.msk $0xffff, v0  }
0x98: {  	v1 =	vld [tilespmem:$0x110];
	_ =	sdelay $0x7  }
0x99: {  	[tilespmem:v1+s25+$0x0] =	vst.idx.add.f32.msk $0xffff, v0  }
0x9a: {  	v1 =	vld [tilespmem:$0x120];
	_ =	sdelay $0x7  }
0x9b: {  	[tilespmem:v1+s25+$0x0] =	vst.idx.add.f32.msk $0xffff, v0  }
0x9c: {  	v1 =	vld [tilespmem:$0x130];
	_ =	sdelay $0x7  }
0x9d: {  	[tilespmem:v1+s25+$0x0] =	vst.idx.add.f32.msk $0xffff, v0  }
0x9e: {  	v1 =	vld [tilespmem:$0x140];
	_ =	sdelay $0x7  }
0x9f: {  	[tilespmem:v1+s25+$0x0] =	vst.idx.add.f32.msk $0xffff, v0  }
0xa0: {  	v1 =	vld [tilespmem:$0x150];
	_ =	sdelay $0x7  }
0xa1: {  	[tilespmem:v1+s25+$0x0] =	vst.idx.add.f32.msk $0xffff, v0  }
0xa2: {  	v1 =	vld [tilespmem:$0x160];
	_ =	sdelay $0x7  }
0xa3: {  	[tilespmem:v1+s25+$0x0] =	vst.idx.add.f32.msk $0xffff, v0  }
0xa4: {  	v1 =	vld [tilespmem:$0x170];
	_ =	sdelay $0x7  }
0xa5: {  	[tilespmem:v1+s25+$0x0] =	vst.idx.add.f32.msk $0xffff, v0  }
0xa6: {  	_ =	swait.ge [sflag:s12], $0x4000  }
0xa7: {  	[sflag:s12] =	ssyncset.done $0x0  }
0xa8: {  	[sflag:s12] =	ssyncadd.s32 $0xFFFFC000  }
0xa9: {  	[spmem:s3] =	stream.indirect.scatter.add.f32 [tilespmem:s2], [sflag:$0x6], $0x80, s28, s29, $0xb8;
	[tilespmem:$0x1EB00] =	vst v63  }
0xaa: {  	_ =	swait.ge [sflag:s26], $0x4000  }
0xab: {  	[sflag:s26] =	ssyncset.done $0x0  }
0xac: {  	[sflag:s26] =	ssyncadd.s32 $0xFFFFC000  }
0xad: {  	v1 =	vld [tilespmem:$0x180];
	_ =	sdelay $0x7  }
0xae: {  	[tilespmem:v1+s25+$0x0] =	vst.idx.add.f32.msk $0xffff, v0  }
0xaf: {  	v1 =	vld [tilespmem:$0x190];
	_ =	sdelay $0x7  }
0xb0: {  	[tilespmem:v1+s25+$0x0] =	vst.idx.add.f32.msk $0xffff, v0  }
0xb1: {  	v1 =	vld [tilespmem:$0x1A0];
	_ =	sdelay $0x7  }
0xb2: {  	[tilespmem:v1+s25+$0x0] =	vst.idx.add.f32.msk $0xffff, v0  }
0xb3: {  	v1 =	vld [tilespmem:$0x1B0];
	_ =	sdelay $0x7  }
0xb4: {  	[tilespmem:v1+s25+$0x0] =	vst.idx.add.f32.msk $0xffff, v0  }
0xb5: {  	v1 =	vld [tilespmem:$0x1C0];
	_ =	sdelay $0x7  }
0xb6: {  	[tilespmem:v1+s25+$0x0] =	vst.idx.add.f32.msk $0xffff, v0  }
0xb7: {  	v1 =	vld [tilespmem:$0x1D0];
	_ =	sdelay $0x7  }
0xb8: {  	[tilespmem:v1+s25+$0x0] =	vst.idx.add.f32.msk $0xffff, v0  }
0xb9: {  	v1 =	vld [tilespmem:$0x1E0];
	_ =	sdelay $0x7  }
0xba: {  	[tilespmem:v1+s25+$0x0] =	vst.idx.add.f32.msk $0xffff, v0  }
0xbb: {  	v1 =	vld [tilespmem:$0x1F0];
	_ =	sdelay $0x7  }
0xbc: {  	[tilespmem:v1+s25+$0x0] =	vst.idx.add.f32.msk $0xffff, v0  }
0xbd: {  	_ =	swait.ge [sflag:s13], $0x4000  }
0xbe: {  	[sflag:s13] =	ssyncset.done $0x0  }
0xbf: {  	[sflag:s13] =	ssyncadd.s32 $0xFFFFC000  }
0xc0: {  	[spmem:s3] =	stream.indirect.scatter.add.f32 [tilespmem:s8], [sflag:$0x6], $0x80, s30, s29, $0xb8;
	[tilespmem:$0x1EB00] =	vst v63  }
0xc1: {  	_ =	swait.ge [sflag:s26], $0x4000  }
0xc2: {  	[sflag:s26] =	ssyncset.done $0x0  }
0xc3: {  	s15 =	simm.s32 $0x8200;
	s14 =	rddreg [dreg:$0xe];
	[sflag:s26] =	ssyncadd.s32 $0xFFFFC000  }
0xc4: {  	[tilespmem:s15], [sflag:$0x6] =	stream.linear.gather [hbm4b:s14+s4], $0x10, $0x38;
	[tilespmem:$0x1EB00] =	vst v63  }
0xc5: {  	_ =	swait.ge [sflag:s26], $0x10  }
0xc6: {  	[sflag:s26] =	ssyncset.done $0x0  }
0xc7: {  	s16 =	simm.s32 $0x8280;
	s14 =	rddreg [dreg:$0xf];
	[sflag:s26] =	ssyncadd.s32 $0xFFFFFFF0  }
0xc8: {  	[tilespmem:s16], [sflag:$0x6] =	stream.linear.gather [hbm4b:s14+s4], $0x10, $0x38;
	[tilespmem:$0x1EB00] =	vst v63  }
0xc9: {  	_ =	swait.ge [sflag:s26], $0x10  }
0xca: {  	[sflag:s26] =	ssyncset.done $0x0  }
0xcb: {  	s14 =	simm.s32 $0x10;
	[sflag:s26] =	ssyncadd.s32 $0xFFFFFFF0  }
0xcc: {  	[tilespmem:s17], [sflag:$0x5] =	stream.indirect.gather [hbm4b:s1+s14], $0x80, s15, s14, $0xb8;
	[tilespmem:$0x1EB00] =	vst v63  }
0xcd: {  	_ =	swait.ge [sflag:s18], $0x800  }
0xce: {  	[sflag:s18] =	ssyncset.done $0x0  }
0xcf: {  	[sflag:s18] =	ssyncadd.s32 $0xFFFFF800  }
0xd0: {  	[spmem:s3] =	stream.indirect.scatter.add.f32 [tilespmem:s17], [sflag:$0x6], $0x80, s16, s14, $0xb8;
	[tilespmem:$0x1EB00] =	vst v63  }
0xd1: {  	_ =	swait.ge [sflag:s26], $0x800  }
0xd2: {  	[sflag:s26] =	ssyncset.done $0x0  }
0xd3: {  	[sflag:s26] =	ssyncadd.s32 $0xFFFFF800  }
0xd4: {  	v1 =	vld [tilespmem:$0x8280];
	_ =	sdelay $0x7  }
0xd5: {  	[tilespmem:v1+s25+$0x0] =	vst.idx.add.f32.msk $0xffff, v0  }
0xd6: {  	[bflag:$0x0] =	sbarrier.arrive $0xFFFF  }
0xd7: {  	s14 =	rddreg [dreg:$0x10]  }
0xd8: {  	[hbm:s14], [sflag:s20] =	dma.local @p0 [spmem:s23], $0x2700  }
0xd9: {  	s14 =	simm.s32 @p0 $0x6  }
0xda: {  	_ =	swait.ge @p0 [sflag:s14], $0x2700  }
0xdb: {  	[sflag:s14] =	ssyncset.done @p0 $0x0  }
0xdc: {  	s15 =	rddreg [dreg:$0x11];
	[sflag:s14] =	ssyncadd.s32 @p0 $0xFFFFD900;
	s14 =	simm.s32 @!p0 $0x1FC6  }
0xdd: {  	[hbm:s15], [sflag:s14] =	dma.local @!p0 [spmem:s11], $0x2800  }
0xde: {  	s11 =	simm.s32 @!p0 $0x6  }
0xdf: {  	_ =	swait.ge @!p0 [sflag:s11], $0x2800  }
0xe0: {  	[sflag:s11] =	ssyncset.done @!p0 $0x0  }
0xe1: {  	s20 =	rddreg [dreg:$0x12];
	[sflag:s11] =	ssyncadd.s32 @!p0 $0xFFFFD800  }
0xe2: {  	[hbm4b:s20+s4] =	stream.linear.scatter [tilespmem:s25], [sflag:$0x6], $0x2710, $0x38;
	[tilespmem:$0x1EB00] =	vst v63  }
0xe3: {  	_ =	swait.ge [sflag:s26], $0x2710  }
0xe4: {  	s19 =	sadd.s32 $0x1, s19;
	s23 =	rddreg [dreg:$0x13]  }
0xe5: {  	p1 =	sne.s32 s19, s23  }
.Ltmp1:
0xe6: {  	_ = 	snop;
	(pc) =	sbr.rel @p1 .LBB2_1-.Ltmp1, $3  }
0xe7: {  	_ =	sdelay $0x1  }
0xe8: {  	[sflag:s26] =	ssyncset.done $0x0  }
0xe9: {  	[sflag:s26] =	ssyncadd.s32 $0xFFFFD8F0  }
0xea: {  	_ =	sfence.sel $0x180000  }
0xeb: {  	[bflag:$0x0] =	sbarrier.arrive $0xFFFF  }
0xec: {  	_ =	strace $0x90000047  }
0xed: {  	s0 =	stileid.u32;
	[bflag:$0x2] =	sbarrier.arrive $0xFFFF  }
0xee: {  	p0 =	sne.s32 s0, $0x0;
	s0 =	rddreg [dreg:$0x4]  }
0xef: {  	s0 =	sadd.s32 @!p0 $0x100000, s0  }
0xf0: {  	[sflag:s0] =	ssyncadd.tile.s32 @!p0 $0x1;
	_ =	shalt  }
.Lfunc_end2:
_tile_overlayer_lowered:
.L_overlay_start_2:
0xf1: {  	(tag) =	ssettag $0x2  }
0xf2: {  	s0 =	rddreg [dreg:$0x0];
	s2 =	stileid.u32  }
0xf3: {  	s1 =	rddreg [dreg:$0x1];
	p0 =	sne.s32 s2, $0x0  }
0xf4: {  	s3 =	rddreg [dreg:$0x2];
	[bflag:$0x3] =	sbarrier.arrive $0xFFFF;
	s2 =	simm.s32 @!p0 $0x1C06  }
0xf5: {  	[timem:s3], [sflag:s2] =	dma.local @!p0 [hbm:s0], s1  }
0xf6: {  	s0 =	simm.s32 @!p0 $0x6  }
0xf7: {  	_ =	swait.ge @!p0 [sflag:s0], s1  }
0xf8: {  	s1 =	ssub.s32 @!p0 $0x0, s1;
	[sflag:s0] =	ssyncset.done @!p0 $0x0  }
0xf9: {  	[sflag:s0] =	ssyncadd.s32 @!p0 s1  }
0xfa: {  	[bflag:$0x3] =	sbarrier.arrive $0xFFFF  }
0xfb: {  	_ =	shalt  }

</sc_bundles>
